<compile_context>
chip_gen: v7x
topology: tpu7x:2x2x1
jax: 0.10.2.dev20260603
libtpu: 0.0.44.dev20260713+nightly
codegen_flags: <defaults>
</compile_context>

<pallas_src>
import functools

import jax
import jax.numpy as jnp
from jax import lax
from jax.experimental import pallas as pl
from jax.experimental.pallas import tpu as pltpu
from jax.experimental.pallas import tpu_sc as plsc

_K = 16
_ST = 256
_QT = 256
_CF = 256
_CP = 384

_NEG_SLOPE = 0.1


def _leaky(x):
    return jnp.where(x >= 0, x, _NEG_SLOPE * x)


def _knn_body(n_points, sxyz_ref, xyz_ref, idx_ref):
    b = pl.program_id(0)
    s = sxyz_ref[0]
    x = xyz_ref[0]
    sn = jnp.sum(s * s, axis=1, keepdims=True)
    xn = jnp.sum(x * x, axis=0, keepdims=True)
    prod = lax.dot_general(s, x, (((1,), (0,)), ((), ())),
                           preferred_element_type=jnp.float32)
    d2 = sn + xn - 2.0 * prod
    iota = lax.broadcasted_iota(jnp.int32, d2.shape, 1)
    big = jnp.int32(2 ** 30)
    base = b * n_points
    cols = []
    for _ in range(_K):
        m = jnp.min(d2, axis=1, keepdims=True)
        a = jnp.min(jnp.where(d2 == m, iota, big), axis=1, keepdims=True)
        cols.append(a + base)
        d2 = jnp.where(iota == a, jnp.inf, d2)
    idx_ref[0] = jnp.concatenate(cols, axis=1)


def _knn_topk(sxyz_cl, xyz):
    bsz, n_samp, _ = sxyz_cl.shape
    n_points = xyz.shape[2]
    return pl.pallas_call(
        functools.partial(_knn_body, n_points),
        grid=(bsz, n_samp // _ST),
        in_specs=[
            pl.BlockSpec((1, _ST, 3), lambda b, i: (b, i, 0)),
            pl.BlockSpec((1, 3, n_points), lambda b, i: (b, 0, 0)),
        ],
        out_specs=pl.BlockSpec((1, _ST, _K), lambda b, i: (b, i, 0)),
        out_shape=jax.ShapeDtypeStruct((bsz, n_samp, _K), jnp.int32),
        compiler_params=pltpu.CompilerParams(
            dimension_semantics=("parallel", "parallel")),
    )(sxyz_cl, xyz)


_GCH = 128


def _sc_gather(table, gidx):
    n_rows = gidx.shape[0]
    info = plsc.get_sparse_core_info()
    n_workers = info.num_cores * info.num_subcores
    rows_per_w = n_rows // n_workers
    n_chunks = rows_per_w // _GCH
    mesh = plsc.VectorSubcoreMesh(core_axis_name="c", subcore_axis_name="s")

    @functools.partial(
        pl.kernel,
        mesh=mesh,
        out_type=jax.ShapeDtypeStruct((n_rows, _CP), jnp.float32),
        scratch_types=[
            pltpu.VMEM((_GCH,), jnp.int32),
            pltpu.VMEM((_GCH, _CP), jnp.float32),
            pltpu.SemaphoreType.DMA,
        ],
    )
    def gather_kernel(table_hbm, idx_hbm, out_hbm, idx_v, rows_v, sem):
        wid = lax.axis_index("s") * info.num_cores + lax.axis_index("c")
        base = wid * rows_per_w

        @pl.loop(0, n_chunks)
        def _(c):
            off = base + c * _GCH
            pltpu.sync_copy(idx_hbm.at[pl.ds(off, _GCH)], idx_v)
            pltpu.async_copy(table_hbm.at[idx_v], rows_v, sem).wait()
            pltpu.sync_copy(rows_v, out_hbm.at[pl.ds(off, _GCH)])

    return gather_kernel(table, gidx)


def _conv_body(g_ref, srep_ref, w1t_ref, b1_ref, w2t_ref, b2_ref, wl_ref,
               bl_ref, out_ref):
    g = g_ref[...].reshape(_K * _QT, _CP)
    xyzn = g[:, _CF:_CF + 3] - srep_ref[...].reshape(_K * _QT, 3)
    h = _leaky(lax.dot_general(xyzn, w1t_ref[...], (((1,), (0,)), ((), ())),
                               preferred_element_type=jnp.float32)
               + b1_ref[...])
    h = _leaky(lax.dot_general(h, w2t_ref[...], (((1,), (0,)), ((), ())),
                               preferred_element_type=jnp.float32)
               + b2_ref[...])
    parts = []
    for j in range(_K):
        prod = g * h[:, j:j + 1]
        acc_j = prod[0:_QT]
        for k in range(1, _K):
            acc_j = acc_j + prod[k * _QT:(k + 1) * _QT]
        parts.append(acc_j)
    wf = jnp.concatenate(parts, axis=1)
    acc = lax.dot_general(wf.astype(jnp.bfloat16), wl_ref[...],
                          (((1,), (0,)), ((), ())),
                          preferred_element_type=jnp.float32)
    out_ref[...] = _leaky(acc + bl_ref[...])


def _point_conv(gathered, srep, w1t, b1, w2t, b2, wl_pad, bl, n_rows, c_out):
    n_q = n_rows // _K
    grid = (n_q // _QT,)
    return pl.pallas_call(
        _conv_body,
        grid=grid,
        in_specs=[
            pl.BlockSpec((_K, _QT, _CP), lambda i: (0, i, 0)),
            pl.BlockSpec((_K, _QT, 3), lambda i: (0, i, 0)),
            pl.BlockSpec((3, 8), lambda i: (0, 0)),
            pl.BlockSpec((1, 8), lambda i: (0, 0)),
            pl.BlockSpec((8, _K), lambda i: (0, 0)),
            pl.BlockSpec((1, _K), lambda i: (0, 0)),
            pl.BlockSpec((_K * _CP, c_out), lambda i: (0, 0)),
            pl.BlockSpec((1, c_out), lambda i: (0, 0)),
        ],
        out_specs=pl.BlockSpec((_QT, c_out), lambda i: (i, 0)),
        out_shape=jax.ShapeDtypeStruct((n_q, c_out), jnp.float32),
        compiler_params=pltpu.CompilerParams(
            dimension_semantics=("parallel",)),
    )(gathered, srep, w1t, b1, w2t, b2, wl_pad, bl)


def kernel(xyz, features, sampled_xyz, W1, b1, W2, b2, Wl, bl):
    bsz, _, n_points = xyz.shape
    n_samp = sampled_xyz.shape[2]
    c_out = Wl.shape[0]

    xyz_cl = jnp.transpose(xyz, (0, 2, 1))
    f_cl = jnp.transpose(features, (0, 2, 1))
    pad = jnp.zeros((bsz, n_points, _CP - _CF - 3), jnp.float32)
    table = jnp.concatenate([f_cl, xyz_cl, pad], axis=2).reshape(
        bsz * n_points, _CP)

    sxyz_cl = jnp.transpose(sampled_xyz, (0, 2, 1))

    w1t = jnp.transpose(W1)
    w2t = jnp.transpose(W2)
    wlr = Wl.reshape(c_out, _K, _CF + 3)
    wl_pad = jnp.concatenate(
        [wlr[:, :, 3:], wlr[:, :, :3],
         jnp.zeros((c_out, _K, _CP - _CF - 3), jnp.float32)], axis=2)
    wl_pad = wl_pad.reshape(c_out, _K * _CP).T.astype(jnp.bfloat16)

    hb = bsz // 2
    outs = []
    for h in range(2):
        sl = slice(h * hb, (h + 1) * hb)
        gidx = (_knn_topk(sxyz_cl[sl], xyz[sl]) + h * hb * n_points)
        gidx = gidx.reshape(hb * n_samp, _K).T.reshape(hb * n_samp * _K)
        gathered = _sc_gather(table, gidx).reshape(_K, hb * n_samp, _CP)
        srep = jnp.broadcast_to(
            sxyz_cl[sl].reshape(1, hb * n_samp, 3), (_K, hb * n_samp, 3))
        outs.append(_point_conv(gathered, srep, w1t, b1.reshape(1, 8), w2t,
                                b2.reshape(1, _K), wl_pad,
                                bl.reshape(1, c_out),
                                hb * n_samp * _K, c_out))

    out = jnp.concatenate(outs, axis=0)
    return jnp.transpose(out.reshape(bsz, n_samp, c_out), (0, 2, 1))

# --- scband reference (transcript-rebuilt; emitter-appended) ---
"""Pipeline reference for scband-point-conv-down-sampling-74552042324074 (READ-ONLY COPY).

The authoritative reference and input builder live on the scoring server;
editing this copy changes nothing except your own understanding.
"""

import jax, jax.numpy as jnp
import numpy as np

B, N, S, K = 4, 8192, 2048, 16
CIN, COUT = 256, 512


def _leaky(x):
    return jax.nn.leaky_relu(x, negative_slope=0.1)


def _knn_indices(xyz, sxyz, k):
    # xyz: [B,3,N], sxyz: [B,3,S] -> idx [B,S,k] of nearest points in xyz
    d2 = (jnp.sum(sxyz ** 2, axis=1)[:, :, None]
          + jnp.sum(xyz ** 2, axis=1)[:, None, :]
          - 2.0 * jnp.einsum('bcs,bcn->bsn', sxyz, xyz))
    _, idx = jax.lax.top_k(-d2, k)
    return idx


def _gather(points_cl, idx):
    # points_cl: [B,N,C], idx: [B,S,k] -> [B,S,k,C]
    return jax.vmap(lambda p, i: p[i])(points_cl, idx)


def setup_inputs(seed: int = 0) -> dict:
    key = jax.random.key(seed)
    ks = jax.random.split(key, 10)
    xyz = jax.random.normal(ks[0], (B, 3, N), dtype=jnp.float32)
    features = jax.random.normal(ks[1], (B, CIN, N), dtype=jnp.float32)
    sampled_xyz = jax.random.normal(ks[2], (B, 3, S), dtype=jnp.float32)
    # weight_net: MLP2d(3, [8, 16]) == two 1x1 convs over channel dim
    W1 = jax.random.normal(ks[3], (8, 3), dtype=jnp.float32) / np.sqrt(3.0)
    b1 = jnp.zeros((8,), dtype=jnp.float32)
    W2 = jax.random.normal(ks[4], (16, 8), dtype=jnp.float32) / np.sqrt(8.0)
    b2 = jnp.zeros((16,), dtype=jnp.float32)
    Dlin = 16 * (CIN + 3)
    Wl = jax.random.normal(ks[5], (COUT, Dlin), dtype=jnp.float32) / np.sqrt(Dlin)
    bl = jnp.zeros((COUT,), dtype=jnp.float32)
    return {"xyz": xyz, "features": features, "sampled_xyz": sampled_xyz,
            "W1": W1, "b1": b1, "W2": W2, "b2": b2, "Wl": Wl, "bl": bl}


def reference(xyz, features, sampled_xyz, W1, b1, W2, b2, Wl, bl):
    batch_size = xyz.shape[0]
    n_samples = sampled_xyz.shape[2]
    feats_cat = jnp.concatenate([xyz, features], axis=1)       # [B, 3+CIN, N]
    feats_cl = jnp.transpose(feats_cat, (0, 2, 1))             # [B, N, 3+CIN]
    idx = _knn_indices(xyz, sampled_xyz, K)                    # [B, S, K]
    xyz_cl = jnp.transpose(xyz, (0, 2, 1))                     # [B, N, 3]
    knn_xyz = _gather(xyz_cl, idx)                             # [B, S, K, 3]
    s_cl = jnp.transpose(sampled_xyz, (0, 2, 1))               # [B, S, 3]
    knn_xyz_norm = knn_xyz - s_cl[:, :, None, :]               # [B, S, K, 3]
    h = _leaky(knn_xyz_norm @ W1.T + b1)                       # [B, S, K, 8]
    h = _leaky(h @ W2.T + b2)                                  # [B, S, K, 16]
    weights = jnp.swapaxes(h, 2, 3)                            # [B, S, 16, K]
    knn_feats = _gather(feats_cl, idx)                         # [B, S, K, 3+CIN]
    wf = weights @ knn_feats                                   # [B, S, 16, 3+CIN]
    wf = wf.reshape(batch_size, n_samples, -1)                 # [B, S, 16*(3+CIN)]
    out = wf @ Wl.T + bl                                       # [B, S, COUT]
    out = jnp.transpose(out, (0, 2, 1))                        # [B, COUT, S]
    out = _leaky(out)  # norm=None -> Identity, then LeakyReLU(0.1)
    return out

if __name__ == "__main__":
    import jax
    _d = setup_inputs()
    print(jax.jit(kernel)(*tuple(_d.values())))

</pallas_src>

<mosaic_0001>
#map = affine_map<(d0, d1) -> (0, 0)>
#map1 = affine_map<(d0, d1) -> (0)>
module attributes {stable_mosaic.version = 14 : i64} {
  func.func @gather_kernel(%arg0: i32, %arg1: i32, %arg2: memref<32768x384xf32, #tpu.memory_space<hbm>>, %arg3: memref<65536xi32, #tpu.memory_space<hbm>>, %arg4: memref<65536x384xf32, #tpu.memory_space<hbm>>, %arg5: memref<128xi32, #tpu.memory_space<vmem>>, %arg6: memref<128x384xf32, #tpu.memory_space<vmem>>, %arg7: memref<!tpu.dma_semaphore, #tpu.memory_space<semaphore_mem>>) attributes {dimension_semantics = [#tpu.dimension_semantics<core_parallel>, #tpu.dimension_semantics<subcore_parallel>], iteration_bounds = array<i64: 2, 16>, scalar_prefetch = 0 : i64, scratch_operands = 3 : i64, tpu.core_type = #tpu.core_type<sc_vector_subcore>, window_params = [{transform_indices = #map}, {transform_indices = #map1}, {transform_indices = #map}]} {
    %mul3A = arith.constant 2 : i32
    %mul3A_0 = arith.muli %arg1, %mul3A : i32
    %add3A = arith.addi %mul3A_0, %arg0 : i32
    %mul3A_1 = arith.constant 2048 : i32
    %mul3A_2 = arith.muli %add3A, %mul3A_1 : i32
    %scan3A = arith.constant 0 : i32
    %scan3A_3 = arith.constant 16 : i32
    %scan3A_4 = arith.addi %scan3A, %scan3A_3 : i32
    %scan3A_5 = arith.constant 1 : i32
    scf.for %scan3A_7 = %scan3A to %scan3A_4 step %scan3A_5  : i32 {
      %mul3A_8 = arith.constant 1 : i32
      %mul3A_9 = arith.muli %scan3A_7, %mul3A_8 : i32
      %add3A_10 = arith.constant 0 : i32
      %add3A_11 = arith.addi %add3A_10, %mul3A_9 : i32
      %mul3A_12 = arith.constant 128 : i32
      %mul3A_13 = arith.muli %add3A_11, %mul3A_12 : i32
      %add3A_14 = arith.addi %mul3A_2, %mul3A_13 : i32
      "tpu.region"() ({
        %run_scoped3A = tpu.sem_alloc : memref<!tpu.dma_semaphore, #tpu.memory_space<semaphore_mem>>
        %dma_start3A_19 = tpu.memref_slice %arg3[%add3A_14] : memref<65536xi32, #tpu.memory_space<hbm>> -> memref<128xi32, #tpu.memory_space<hbm>>
        %dma_start3A_20 = tpu.memref_slice %arg3[%add3A_14] : memref<65536xi32, #tpu.memory_space<hbm>> -> memref<128xi32, #tpu.memory_space<hbm>>
        tpu.enqueue_dma source(%dma_start3A_20 : memref<128xi32, #tpu.memory_space<hbm>>) target(%arg5 : memref<128xi32, #tpu.memory_space<vmem>>) target_semaphore(%run_scoped3A : memref<!tpu.dma_semaphore, #tpu.memory_space<semaphore_mem>>)
        %dma_wait3A_21 = tpu.memref_slice %arg3[%add3A_14] : memref<65536xi32, #tpu.memory_space<hbm>> -> memref<128xi32, #tpu.memory_space<hbm>>
        %dma_wait3A_22 = tpu.memref_slice %arg3[%add3A_14] : memref<65536xi32, #tpu.memory_space<hbm>> -> memref<128xi32, #tpu.memory_space<hbm>>
        tpu.wait_dma2 semaphore(%run_scoped3A : memref<!tpu.dma_semaphore, #tpu.memory_space<semaphore_mem>>) src(%dma_wait3A_22 : memref<128xi32, #tpu.memory_space<hbm>>) dst(%arg5 : memref<128xi32, #tpu.memory_space<vmem>>)
        tpu.yield
      }) : () -> ()
      %dma_start3A = arith.constant 0 : i32
      %dma_start3A_15 = arith.constant 0 : i32
      %dma_start3A_16 = tpu.memref_slice %arg2[%dma_start3A, %dma_start3A_15] : memref<32768x384xf32, #tpu.memory_space<hbm>> -> memref<32768x384xf32, #tpu.memory_space<hbm>>
      tpu.enqueue_indirect_dma source(%dma_start3A_16 : memref<32768x384xf32, #tpu.memory_space<hbm>>) target(%arg6 : memref<128x384xf32, #tpu.memory_space<vmem>>) offsets(%arg5 : memref<128xi32, #tpu.memory_space<vmem>>) semaphore(%arg7 : memref<!tpu.dma_semaphore, #tpu.memory_space<semaphore_mem>>)
      %dma_wait3A = arith.constant 0 : i32
      %dma_wait3A_17 = arith.constant 0 : i32
      %dma_wait3A_18 = tpu.memref_slice %arg2[%dma_wait3A, %dma_wait3A_17] : memref<32768x384xf32, #tpu.memory_space<hbm>> -> memref<32768x384xf32, #tpu.memory_space<hbm>>
      tpu.wait_indirect_dma semaphore(%arg7 : memref<!tpu.dma_semaphore, #tpu.memory_space<semaphore_mem>>) src(%dma_wait3A_18 : memref<32768x384xf32, #tpu.memory_space<hbm>>) dst(%arg6 : memref<128x384xf32, #tpu.memory_space<vmem>>)
      "tpu.region"() ({
        %run_scoped3A = tpu.sem_alloc : memref<!tpu.dma_semaphore, #tpu.memory_space<semaphore_mem>>
        %dma_start3A_19 = arith.constant 0 : i32
        %dma_start3A_20 = tpu.memref_slice %arg4[%add3A_14, %dma_start3A_19] : memref<65536x384xf32, #tpu.memory_space<hbm>> -> memref<128x384xf32, #tpu.memory_space<hbm>>
        %dma_start3A_21 = arith.constant 0 : i32
        %dma_start3A_22 = tpu.memref_slice %arg4[%add3A_14, %dma_start3A_21] : memref<65536x384xf32, #tpu.memory_space<hbm>> -> memref<128x384xf32, #tpu.memory_space<hbm>>
        tpu.enqueue_dma source(%arg6 : memref<128x384xf32, #tpu.memory_space<vmem>>) target(%dma_start3A_22 : memref<128x384xf32, #tpu.memory_space<hbm>>) target_semaphore(%run_scoped3A : memref<!tpu.dma_semaphore, #tpu.memory_space<semaphore_mem>>)
        %dma_wait3A_23 = arith.constant 0 : i32
        %dma_wait3A_24 = tpu.memref_slice %arg4[%add3A_14, %dma_wait3A_23] : memref<65536x384xf32, #tpu.memory_space<hbm>> -> memref<128x384xf32, #tpu.memory_space<hbm>>
        %dma_wait3A_25 = arith.constant 0 : i32
        %dma_wait3A_26 = tpu.memref_slice %arg4[%add3A_14, %dma_wait3A_25] : memref<65536x384xf32, #tpu.memory_space<hbm>> -> memref<128x384xf32, #tpu.memory_space<hbm>>
        tpu.wait_dma2 semaphore(%run_scoped3A : memref<!tpu.dma_semaphore, #tpu.memory_space<semaphore_mem>>) src(%arg6 : memref<128x384xf32, #tpu.memory_space<vmem>>) dst(%dma_wait3A_26 : memref<128x384xf32, #tpu.memory_space<hbm>>)
        tpu.yield
      }) : () -> ()
    }
    %scan3A_6 = arith.constant 16 : i32
    return
  }
}

#map = affine_map<(d0, d1) -> (0, 0)>
#map1 = affine_map<(d0, d1) -> (0)>
module attributes {stable_mosaic.version = 14 : i64} {
  func.func @gather_kernel(%arg0: i32, %arg1: i32, %arg2: memref<32768x384xf32, #tpu.memory_space<hbm>>, %arg3: memref<65536xi32, #tpu.memory_space<hbm>>, %arg4: memref<65536x384xf32, #tpu.memory_space<hbm>>, %arg5: memref<128xi32, #tpu.memory_space<vmem>>, %arg6: memref<128x384xf32, #tpu.memory_space<vmem>>, %arg7: memref<!tpu.dma_semaphore, #tpu.memory_space<semaphore_mem>>) attributes {dimension_semantics = [#tpu.dimension_semantics<core_parallel>, #tpu.dimension_semantics<subcore_parallel>], iteration_bounds = array<i64: 2, 16>, scalar_prefetch = 0 : i64, scratch_operands = 3 : i64, tpu.core_type = #tpu.core_type<sc_vector_subcore>, window_params = [{transform_indices = #map}, {transform_indices = #map1}, {transform_indices = #map}]} {
    %mul3A = arith.constant 2 : i32
    %mul3A_0 = arith.muli %arg1, %mul3A : i32
    %add3A = arith.addi %mul3A_0, %arg0 : i32
    %mul3A_1 = arith.constant 2048 : i32
    %mul3A_2 = arith.muli %add3A, %mul3A_1 : i32
    %scan3A = arith.constant 0 : i32
    %scan3A_3 = arith.constant 16 : i32
    %scan3A_4 = arith.addi %scan3A, %scan3A_3 : i32
    %scan3A_5 = arith.constant 1 : i32
    scf.for %scan3A_7 = %scan3A to %scan3A_4 step %scan3A_5  : i32 {
      %mul3A_8 = arith.constant 1 : i32
      %mul3A_9 = arith.muli %scan3A_7, %mul3A_8 : i32
      %add3A_10 = arith.constant 0 : i32
      %add3A_11 = arith.addi %add3A_10, %mul3A_9 : i32
      %mul3A_12 = arith.constant 128 : i32
      %mul3A_13 = arith.muli %add3A_11, %mul3A_12 : i32
      %add3A_14 = arith.addi %mul3A_2, %mul3A_13 : i32
      "tpu.region"() ({
        %run_scoped3A = tpu.sem_alloc : memref<!tpu.dma_semaphore, #tpu.memory_space<semaphore_mem>>
        %dma_start3A_19 = tpu.memref_slice %arg3[%add3A_14] : memref<65536xi32, #tpu.memory_space<hbm>> -> memref<128xi32, #tpu.memory_space<hbm>>
        %dma_start3A_20 = tpu.memref_slice %arg3[%add3A_14] : memref<65536xi32, #tpu.memory_space<hbm>> -> memref<128xi32, #tpu.memory_space<hbm>>
        tpu.enqueue_dma source(%dma_start3A_20 : memref<128xi32, #tpu.memory_space<hbm>>) target(%arg5 : memref<128xi32, #tpu.memory_space<vmem>>) target_semaphore(%run_scoped3A : memref<!tpu.dma_semaphore, #tpu.memory_space<semaphore_mem>>)
        %dma_wait3A_21 = tpu.memref_slice %arg3[%add3A_14] : memref<65536xi32, #tpu.memory_space<hbm>> -> memref<128xi32, #tpu.memory_space<hbm>>
        %dma_wait3A_22 = tpu.memref_slice %arg3[%add3A_14] : memref<65536xi32, #tpu.memory_space<hbm>> -> memref<128xi32, #tpu.memory_space<hbm>>
        tpu.wait_dma2 semaphore(%run_scoped3A : memref<!tpu.dma_semaphore, #tpu.memory_space<semaphore_mem>>) src(%dma_wait3A_22 : memref<128xi32, #tpu.memory_space<hbm>>) dst(%arg5 : memref<128xi32, #tpu.memory_space<vmem>>)
        tpu.yield
      }) : () -> ()
      %dma_start3A = arith.constant 0 : i32
      %dma_start3A_15 = arith.constant 0 : i32
      %dma_start3A_16 = tpu.memref_slice %arg2[%dma_start3A, %dma_start3A_15] : memref<32768x384xf32, #tpu.memory_space<hbm>> -> memref<32768x384xf32, #tpu.memory_space<hbm>>
      tpu.enqueue_indirect_dma source(%dma_start3A_16 : memref<32768x384xf32, #tpu.memory_space<hbm>>) target(%arg6 : memref<128x384xf32, #tpu.memory_space<vmem>>) offsets(%arg5 : memref<128xi32, #tpu.memory_space<vmem>>) semaphore(%arg7 : memref<!tpu.dma_semaphore, #tpu.memory_space<semaphore_mem>>)
      %dma_wait3A = arith.constant 0 : i32
      %dma_wait3A_17 = arith.constant 0 : i32
      %dma_wait3A_18 = tpu.memref_slice %arg2[%dma_wait3A, %dma_wait3A_17] : memref<32768x384xf32, #tpu.memory_space<hbm>> -> memref<32768x384xf32, #tpu.memory_space<hbm>>
      tpu.wait_indirect_dma semaphore(%arg7 : memref<!tpu.dma_semaphore, #tpu.memory_space<semaphore_mem>>) src(%dma_wait3A_18 : memref<32768x384xf32, #tpu.memory_space<hbm>>) dst(%arg6 : memref<128x384xf32, #tpu.memory_space<vmem>>)
      "tpu.region"() ({
        %run_scoped3A = tpu.sem_alloc : memref<!tpu.dma_semaphore, #tpu.memory_space<semaphore_mem>>
        %dma_start3A_19 = arith.constant 0 : i32
        %dma_start3A_20 = tpu.memref_slice %arg4[%add3A_14, %dma_start3A_19] : memref<65536x384xf32, #tpu.memory_space<hbm>> -> memref<128x384xf32, #tpu.memory_space<hbm>>
        %dma_start3A_21 = arith.constant 0 : i32
        %dma_start3A_22 = tpu.memref_slice %arg4[%add3A_14, %dma_start3A_21] : memref<65536x384xf32, #tpu.memory_space<hbm>> -> memref<128x384xf32, #tpu.memory_space<hbm>>
        tpu.enqueue_dma source(%arg6 : memref<128x384xf32, #tpu.memory_space<vmem>>) target(%dma_start3A_22 : memref<128x384xf32, #tpu.memory_space<hbm>>) target_semaphore(%run_scoped3A : memref<!tpu.dma_semaphore, #tpu.memory_space<semaphore_mem>>)
        %dma_wait3A_23 = arith.constant 0 : i32
        %dma_wait3A_24 = tpu.memref_slice %arg4[%add3A_14, %dma_wait3A_23] : memref<65536x384xf32, #tpu.memory_space<hbm>> -> memref<128x384xf32, #tpu.memory_space<hbm>>
        %dma_wait3A_25 = arith.constant 0 : i32
        %dma_wait3A_26 = tpu.memref_slice %arg4[%add3A_14, %dma_wait3A_25] : memref<65536x384xf32, #tpu.memory_space<hbm>> -> memref<128x384xf32, #tpu.memory_space<hbm>>
        tpu.wait_dma2 semaphore(%run_scoped3A : memref<!tpu.dma_semaphore, #tpu.memory_space<semaphore_mem>>) src(%arg6 : memref<128x384xf32, #tpu.memory_space<vmem>>) dst(%dma_wait3A_26 : memref<128x384xf32, #tpu.memory_space<hbm>>)
        tpu.yield
      }) : () -> ()
    }
    %scan3A_6 = arith.constant 16 : i32
    return
  }
}

module attributes {stable_mosaic.version = 14 : i64} {
  func.func @_knn_body(%arg0: i32, %arg1: i32, %arg2: memref<1x256x3xf32, #tpu.memory_space<vmem>>, %arg3: memref<1x3x8192xf32, #tpu.memory_space<vmem>>, %arg4: memref<1x256x16xi32, #tpu.memory_space<vmem>>) attributes {dimension_semantics = [#tpu.dimension_semantics<parallel>, #tpu.dimension_semantics<parallel>], iteration_bounds = array<i64: 2, 8>, scalar_prefetch = 0 : i64, scratch_operands = 0 : i64, tpu.core_type = #tpu.core_type<tc>, window_params = [{transform_indices = @transform_0, window_bounds = array<i64: 1, 256, 3>}, {transform_indices = @transform_1, window_bounds = array<i64: 1, 3, 8192>}, {transform_indices = @transform_2, window_bounds = array<i64: 1, 256, 16>}]} {
    %get3A = arith.constant 0 : index
    %get3A_0 = arith.constant 0 : index
    %get3A_1 = arith.constant 0 : index
    %get3A_2 = vector.load %arg2[%get3A, %get3A_0, %get3A_1] : memref<1x256x3xf32, #tpu.memory_space<vmem>>, vector<1x256x3xf32>
    %get3A_3 = vector.shape_cast %get3A_2 : vector<1x256x3xf32> to vector<256x3xf32>
    %get3A_4 = arith.constant 0 : index
    %get3A_5 = arith.constant 0 : index
    %get3A_6 = arith.constant 0 : index
    %get3A_7 = vector.load %arg3[%get3A_4, %get3A_5, %get3A_6] : memref<1x3x8192xf32, #tpu.memory_space<vmem>>, vector<1x3x8192xf32>
    %get3A_8 = vector.shape_cast %get3A_7 : vector<1x3x8192xf32> to vector<3x8192xf32>
    %mul3A = arith.mulf %get3A_3, %get3A_3 : vector<256x3xf32>
    %reduce_sum3A = arith.constant dense<0.000000e+00> : vector<256xf32>
    %reduce_sum3A_9 = vector.multi_reduction <add>, %mul3A, %reduce_sum3A [1] : vector<256x3xf32> to vector<256xf32>
    %broadcast_in_dim3A = vector.shape_cast %reduce_sum3A_9 : vector<256xf32> to vector<256x1xf32>
    %mul3A_10 = arith.mulf %get3A_8, %get3A_8 : vector<3x8192xf32>
    %reduce_sum3A_11 = arith.constant dense<0.000000e+00> : vector<8192xf32>
    %reduce_sum3A_12 = vector.multi_reduction <add>, %mul3A_10, %reduce_sum3A_11 [0] : vector<3x8192xf32> to vector<8192xf32>
    %broadcast_in_dim3A_13 = vector.shape_cast %reduce_sum3A_12 : vector<8192xf32> to vector<1x8192xf32>
    %dot_general3A = arith.constant dense<0.000000e+00> : vector<256x8192xf32>
    %dot_general3A_14 = tpu.matmul %get3A_3, %get3A_8, %dot_general3A {dimension_numbers = #tpu.dot_dimension_numbers<[1], [0], [0], [1], [0, 0, 1, 1], [], []>, transpose_lhs_hint = false} : vector<256x3xf32>, vector<3x8192xf32>, vector<256x8192xf32> -> vector<256x8192xf32>
    %add3A = vector.broadcast %broadcast_in_dim3A : vector<256x1xf32> to vector<256x8192xf32>
    %add3A_15 = vector.broadcast %broadcast_in_dim3A_13 : vector<1x8192xf32> to vector<256x8192xf32>
    %add3A_16 = arith.addf %add3A, %add3A_15 : vector<256x8192xf32>
    %mul3A_17 = arith.constant 2.000000e+00 : f32
    %mul3A_18 = vector.broadcast %mul3A_17 : f32 to vector<256x8192xf32>
    %mul3A_19 = arith.mulf %mul3A_18, %dot_general3A_14 : vector<256x8192xf32>
    %sub3A = arith.subf %add3A_16, %mul3A_19 : vector<256x8192xf32>
    %iota3A = tpu.iota {dimensions = array<i32: 1>} : vector<256x8192xi32>
    %mul3A_20 = arith.constant 8192 : i32
    %mul3A_21 = arith.muli %arg0, %mul3A_20 : i32
    %reduce_min3A = arith.constant dense<0x7F800000> : vector<256xf32>
    %reduce_min3A_22 = vector.multi_reduction <minimumf>, %sub3A, %reduce_min3A [1] : vector<256x8192xf32> to vector<256xf32>
    %broadcast_in_dim3A_23 = vector.shape_cast %reduce_min3A_22 : vector<256xf32> to vector<256x1xf32>
    %eq3A = vector.broadcast %broadcast_in_dim3A_23 : vector<256x1xf32> to vector<256x8192xf32>
    %eq3A_24 = arith.cmpf oeq, %sub3A, %eq3A : vector<256x8192xf32>
    %jit3A = arith.constant 1073741824 : i32
    %broadcast_in_dim3A_25 = vector.broadcast %jit3A : i32 to vector<256x8192xi32>
    %select_n3A = arith.select %eq3A_24, %iota3A, %broadcast_in_dim3A_25 : vector<256x8192xi1>, vector<256x8192xi32>
    %reduce_min3A_26 = arith.constant dense<2147483647> : vector<256xi32>
    %reduce_min3A_27 = vector.multi_reduction <minsi>, %select_n3A, %reduce_min3A_26 [1] : vector<256x8192xi32> to vector<256xi32>
    %broadcast_in_dim3A_28 = vector.shape_cast %reduce_min3A_27 : vector<256xi32> to vector<256x1xi32>
    %add3A_29 = vector.broadcast %mul3A_21 : i32 to vector<256x1xi32>
    %add3A_30 = arith.addi %broadcast_in_dim3A_28, %add3A_29 : vector<256x1xi32>
    %eq3A_31 = vector.broadcast %broadcast_in_dim3A_28 : vector<256x1xi32> to vector<256x8192xi32>
    %eq3A_32 = arith.cmpi eq, %iota3A, %eq3A_31 : vector<256x8192xi32>
    %jit3A_33 = arith.constant 0x7F800000 : f32
    %broadcast_in_dim3A_34 = vector.broadcast %jit3A_33 : f32 to vector<256x8192xf32>
    %select_n3A_35 = arith.select %eq3A_32, %broadcast_in_dim3A_34, %sub3A : vector<256x8192xi1>, vector<256x8192xf32>
    %reduce_min3A_36 = arith.constant dense<0x7F800000> : vector<256xf32>
    %reduce_min3A_37 = vector.multi_reduction <minimumf>, %select_n3A_35, %reduce_min3A_36 [1] : vector<256x8192xf32> to vector<256xf32>
    %broadcast_in_dim3A_38 = vector.shape_cast %reduce_min3A_37 : vector<256xf32> to vector<256x1xf32>
    %eq3A_39 = vector.broadcast %broadcast_in_dim3A_38 : vector<256x1xf32> to vector<256x8192xf32>
    %eq3A_40 = arith.cmpf oeq, %select_n3A_35, %eq3A_39 : vector<256x8192xf32>
    %jit3A_41 = arith.constant 1073741824 : i32
    %broadcast_in_dim3A_42 = vector.broadcast %jit3A_41 : i32 to vector<256x8192xi32>
    %select_n3A_43 = arith.select %eq3A_40, %iota3A, %broadcast_in_dim3A_42 : vector<256x8192xi1>, vector<256x8192xi32>
    %reduce_min3A_44 = arith.constant dense<2147483647> : vector<256xi32>
    %reduce_min3A_45 = vector.multi_reduction <minsi>, %select_n3A_43, %reduce_min3A_44 [1] : vector<256x8192xi32> to vector<256xi32>
    %broadcast_in_dim3A_46 = vector.shape_cast %reduce_min3A_45 : vector<256xi32> to vector<256x1xi32>
    %add3A_47 = vector.broadcast %mul3A_21 : i32 to vector<256x1xi32>
    %add3A_48 = arith.addi %broadcast_in_dim3A_46, %add3A_47 : vector<256x1xi32>
    %eq3A_49 = vector.broadcast %broadcast_in_dim3A_46 : vector<256x1xi32> to vector<256x8192xi32>
    %eq3A_50 = arith.cmpi eq, %iota3A, %eq3A_49 : vector<256x8192xi32>
    %jit3A_51 = arith.constant 0x7F800000 : f32
    %broadcast_in_dim3A_52 = vector.broadcast %jit3A_51 : f32 to vector<256x8192xf32>
    %select_n3A_53 = arith.select %eq3A_50, %broadcast_in_dim3A_52, %select_n3A_35 : vector<256x8192xi1>, vector<256x8192xf32>
    %reduce_min3A_54 = arith.constant dense<0x7F800000> : vector<256xf32>
    %reduce_min3A_55 = vector.multi_reduction <minimumf>, %select_n3A_53, %reduce_min3A_54 [1] : vector<256x8192xf32> to vector<256xf32>
    %broadcast_in_dim3A_56 = vector.shape_cast %reduce_min3A_55 : vector<256xf32> to vector<256x1xf32>
    %eq3A_57 = vector.broadcast %broadcast_in_dim3A_56 : vector<256x1xf32> to vector<256x8192xf32>
    %eq3A_58 = arith.cmpf oeq, %select_n3A_53, %eq3A_57 : vector<256x8192xf32>
    %jit3A_59 = arith.constant 1073741824 : i32
    %broadcast_in_dim3A_60 = vector.broadcast %jit3A_59 : i32 to vector<256x8192xi32>
    %select_n3A_61 = arith.select %eq3A_58, %iota3A, %broadcast_in_dim3A_60 : vector<256x8192xi1>, vector<256x8192xi32>
    %reduce_min3A_62 = arith.constant dense<2147483647> : vector<256xi32>
    %reduce_min3A_63 = vector.multi_reduction <minsi>, %select_n3A_61, %reduce_min3A_62 [1] : vector<256x8192xi32> to vector<256xi32>
    %broadcast_in_dim3A_64 = vector.shape_cast %reduce_min3A_63 : vector<256xi32> to vector<256x1xi32>
    %add3A_65 = vector.broadcast %mul3A_21 : i32 to vector<256x1xi32>
    %add3A_66 = arith.addi %broadcast_in_dim3A_64, %add3A_65 : vector<256x1xi32>
    %eq3A_67 = vector.broadcast %broadcast_in_dim3A_64 : vector<256x1xi32> to vector<256x8192xi32>
    %eq3A_68 = arith.cmpi eq, %iota3A, %eq3A_67 : vector<256x8192xi32>
    %jit3A_69 = arith.constant 0x7F800000 : f32
    %broadcast_in_dim3A_70 = vector.broadcast %jit3A_69 : f32 to vector<256x8192xf32>
    %select_n3A_71 = arith.select %eq3A_68, %broadcast_in_dim3A_70, %select_n3A_53 : vector<256x8192xi1>, vector<256x8192xf32>
    %reduce_min3A_72 = arith.constant dense<0x7F800000> : vector<256xf32>
    %reduce_min3A_73 = vector.multi_reduction <minimumf>, %select_n3A_71, %reduce_min3A_72 [1] : vector<256x8192xf32> to vector<256xf32>
    %broadcast_in_dim3A_74 = vector.shape_cast %reduce_min3A_73 : vector<256xf32> to vector<256x1xf32>
    %eq3A_75 = vector.broadcast %broadcast_in_dim3A_74 : vector<256x1xf32> to vector<256x8192xf32>
    %eq3A_76 = arith.cmpf oeq, %select_n3A_71, %eq3A_75 : vector<256x8192xf32>
    %jit3A_77 = arith.constant 1073741824 : i32
    %broadcast_in_dim3A_78 = vector.broadcast %jit3A_77 : i32 to vector<256x8192xi32>
    %select_n3A_79 = arith.select %eq3A_76, %iota3A, %broadcast_in_dim3A_78 : vector<256x8192xi1>, vector<256x8192xi32>
    %reduce_min3A_80 = arith.constant dense<2147483647> : vector<256xi32>
    %reduce_min3A_81 = vector.multi_reduction <minsi>, %select_n3A_79, %reduce_min3A_80 [1] : vector<256x8192xi32> to vector<256xi32>
    %broadcast_in_dim3A_82 = vector.shape_cast %reduce_min3A_81 : vector<256xi32> to vector<256x1xi32>
    %add3A_83 = vector.broadcast %mul3A_21 : i32 to vector<256x1xi32>
    %add3A_84 = arith.addi %broadcast_in_dim3A_82, %add3A_83 : vector<256x1xi32>
    %eq3A_85 = vector.broadcast %broadcast_in_dim3A_82 : vector<256x1xi32> to vector<256x8192xi32>
    %eq3A_86 = arith.cmpi eq, %iota3A, %eq3A_85 : vector<256x8192xi32>
    %jit3A_87 = arith.constant 0x7F800000 : f32
    %broadcast_in_dim3A_88 = vector.broadcast %jit3A_87 : f32 to vector<256x8192xf32>
    %select_n3A_89 = arith.select %eq3A_86, %broadcast_in_dim3A_88, %select_n3A_71 : vector<256x8192xi1>, vector<256x8192xf32>
    %reduce_min3A_90 = arith.constant dense<0x7F800000> : vector<256xf32>
    %reduce_min3A_91 = vector.multi_reduction <minimumf>, %select_n3A_89, %reduce_min3A_90 [1] : vector<256x8192xf32> to vector<256xf32>
    %broadcast_in_dim3A_92 = vector.shape_cast %reduce_min3A_91 : vector<256xf32> to vector<256x1xf32>
    %eq3A_93 = vector.broadcast %broadcast_in_dim3A_92 : vector<256x1xf32> to vector<256x8192xf32>
    %eq3A_94 = arith.cmpf oeq, %select_n3A_89, %eq3A_93 : vector<256x8192xf32>
    %jit3A_95 = arith.constant 1073741824 : i32
    %broadcast_in_dim3A_96 = vector.broadcast %jit3A_95 : i32 to vector<256x8192xi32>
    %select_n3A_97 = arith.select %eq3A_94, %iota3A, %broadcast_in_dim3A_96 : vector<256x8192xi1>, vector<256x8192xi32>
    %reduce_min3A_98 = arith.constant dense<2147483647> : vector<256xi32>
    %reduce_min3A_99 = vector.multi_reduction <minsi>, %select_n3A_97, %reduce_min3A_98 [1] : vector<256x8192xi32> to vector<256xi32>
    %broadcast_in_dim3A_100 = vector.shape_cast %reduce_min3A_99 : vector<256xi32> to vector<256x1xi32>
    %add3A_101 = vector.broadcast %mul3A_21 : i32 to vector<256x1xi32>
    %add3A_102 = arith.addi %broadcast_in_dim3A_100, %add3A_101 : vector<256x1xi32>
    %eq3A_103 = vector.broadcast %broadcast_in_dim3A_100 : vector<256x1xi32> to vector<256x8192xi32>
    %eq3A_104 = arith.cmpi eq, %iota3A, %eq3A_103 : vector<256x8192xi32>
    %jit3A_105 = arith.constant 0x7F800000 : f32
    %broadcast_in_dim3A_106 = vector.broadcast %jit3A_105 : f32 to vector<256x8192xf32>
    %select_n3A_107 = arith.select %eq3A_104, %broadcast_in_dim3A_106, %select_n3A_89 : vector<256x8192xi1>, vector<256x8192xf32>
    %reduce_min3A_108 = arith.constant dense<0x7F800000> : vector<256xf32>
    %reduce_min3A_109 = vector.multi_reduction <minimumf>, %select_n3A_107, %reduce_min3A_108 [1] : vector<256x8192xf32> to vector<256xf32>
    %broadcast_in_dim3A_110 = vector.shape_cast %reduce_min3A_109 : vector<256xf32> to vector<256x1xf32>
    %eq3A_111 = vector.broadcast %broadcast_in_dim3A_110 : vector<256x1xf32> to vector<256x8192xf32>
    %eq3A_112 = arith.cmpf oeq, %select_n3A_107, %eq3A_111 : vector<256x8192xf32>
    %jit3A_113 = arith.constant 1073741824 : i32
    %broadcast_in_dim3A_114 = vector.broadcast %jit3A_113 : i32 to vector<256x8192xi32>
    %select_n3A_115 = arith.select %eq3A_112, %iota3A, %broadcast_in_dim3A_114 : vector<256x8192xi1>, vector<256x8192xi32>
    %reduce_min3A_116 = arith.constant dense<2147483647> : vector<256xi32>
    %reduce_min3A_117 = vector.multi_reduction <minsi>, %select_n3A_115, %reduce_min3A_116 [1] : vector<256x8192xi32> to vector<256xi32>
    %broadcast_in_dim3A_118 = vector.shape_cast %reduce_min3A_117 : vector<256xi32> to vector<256x1xi32>
    %add3A_119 = vector.broadcast %mul3A_21 : i32 to vector<256x1xi32>
    %add3A_120 = arith.addi %broadcast_in_dim3A_118, %add3A_119 : vector<256x1xi32>
    %eq3A_121 = vector.broadcast %broadcast_in_dim3A_118 : vector<256x1xi32> to vector<256x8192xi32>
    %eq3A_122 = arith.cmpi eq, %iota3A, %eq3A_121 : vector<256x8192xi32>
    %jit3A_123 = arith.constant 0x7F800000 : f32
    %broadcast_in_dim3A_124 = vector.broadcast %jit3A_123 : f32 to vector<256x8192xf32>
    %select_n3A_125 = arith.select %eq3A_122, %broadcast_in_dim3A_124, %select_n3A_107 : vector<256x8192xi1>, vector<256x8192xf32>
    %reduce_min3A_126 = arith.constant dense<0x7F800000> : vector<256xf32>
    %reduce_min3A_127 = vector.multi_reduction <minimumf>, %select_n3A_125, %reduce_min3A_126 [1] : vector<256x8192xf32> to vector<256xf32>
    %broadcast_in_dim3A_128 = vector.shape_cast %reduce_min3A_127 : vector<256xf32> to vector<256x1xf32>
    %eq3A_129 = vector.broadcast %broadcast_in_dim3A_128 : vector<256x1xf32> to vector<256x8192xf32>
    %eq3A_130 = arith.cmpf oeq, %select_n3A_125, %eq3A_129 : vector<256x8192xf32>
    %jit3A_131 = arith.constant 1073741824 : i32
    %broadcast_in_dim3A_132 = vector.broadcast %jit3A_131 : i32 to vector<256x8192xi32>
    %select_n3A_133 = arith.select %eq3A_130, %iota3A, %broadcast_in_dim3A_132 : vector<256x8192xi1>, vector<256x8192xi32>
    %reduce_min3A_134 = arith.constant dense<2147483647> : vector<256xi32>
    %reduce_min3A_135 = vector.multi_reduction <minsi>, %select_n3A_133, %reduce_min3A_134 [1] : vector<256x8192xi32> to vector<256xi32>
    %broadcast_in_dim3A_136 = vector.shape_cast %reduce_min3A_135 : vector<256xi32> to vector<256x1xi32>
    %add3A_137 = vector.broadcast %mul3A_21 : i32 to vector<256x1xi32>
    %add3A_138 = arith.addi %broadcast_in_dim3A_136, %add3A_137 : vector<256x1xi32>
    %eq3A_139 = vector.broadcast %broadcast_in_dim3A_136 : vector<256x1xi32> to vector<256x8192xi32>
    %eq3A_140 = arith.cmpi eq, %iota3A, %eq3A_139 : vector<256x8192xi32>
    %jit3A_141 = arith.constant 0x7F800000 : f32
    %broadcast_in_dim3A_142 = vector.broadcast %jit3A_141 : f32 to vector<256x8192xf32>
    %select_n3A_143 = arith.select %eq3A_140, %broadcast_in_dim3A_142, %select_n3A_125 : vector<256x8192xi1>, vector<256x8192xf32>
    %reduce_min3A_144 = arith.constant dense<0x7F800000> : vector<256xf32>
    %reduce_min3A_145 = vector.multi_reduction <minimumf>, %select_n3A_143, %reduce_min3A_144 [1] : vector<256x8192xf32> to vector<256xf32>
    %broadcast_in_dim3A_146 = vector.shape_cast %reduce_min3A_145 : vector<256xf32> to vector<256x1xf32>
    %eq3A_147 = vector.broadcast %broadcast_in_dim3A_146 : vector<256x1xf32> to vector<256x8192xf32>
    %eq3A_148 = arith.cmpf oeq, %select_n3A_143, %eq3A_147 : vector<256x8192xf32>
    %jit3A_149 = arith.constant 1073741824 : i32
    %broadcast_in_dim3A_150 = vector.broadcast %jit3A_149 : i32 to vector<256x8192xi32>
    %select_n3A_151 = arith.select %eq3A_148, %iota3A, %broadcast_in_dim3A_150 : vector<256x8192xi1>, vector<256x8192xi32>
    %reduce_min3A_152 = arith.constant dense<2147483647> : vector<256xi32>
    %reduce_min3A_153 = vector.multi_reduction <minsi>, %select_n3A_151, %reduce_min3A_152 [1] : vector<256x8192xi32> to vector<256xi32>
    %broadcast_in_dim3A_154 = vector.shape_cast %reduce_min3A_153 : vector<256xi32> to vector<256x1xi32>
    %add3A_155 = vector.broadcast %mul3A_21 : i32 to vector<256x1xi32>
    %add3A_156 = arith.addi %broadcast_in_dim3A_154, %add3A_155 : vector<256x1xi32>
    %eq3A_157 = vector.broadcast %broadcast_in_dim3A_154 : vector<256x1xi32> to vector<256x8192xi32>
    %eq3A_158 = arith.cmpi eq, %iota3A, %eq3A_157 : vector<256x8192xi32>
    %jit3A_159 = arith.constant 0x7F800000 : f32
    %broadcast_in_dim3A_160 = vector.broadcast %jit3A_159 : f32 to vector<256x8192xf32>
    %select_n3A_161 = arith.select %eq3A_158, %broadcast_in_dim3A_160, %select_n3A_143 : vector<256x8192xi1>, vector<256x8192xf32>
    %reduce_min3A_162 = arith.constant dense<0x7F800000> : vector<256xf32>
    %reduce_min3A_163 = vector.multi_reduction <minimumf>, %select_n3A_161, %reduce_min3A_162 [1] : vector<256x8192xf32> to vector<256xf32>
    %broadcast_in_dim3A_164 = vector.shape_cast %reduce_min3A_163 : vector<256xf32> to vector<256x1xf32>
    %eq3A_165 = vector.broadcast %broadcast_in_dim3A_164 : vector<256x1xf32> to vector<256x8192xf32>
    %eq3A_166 = arith.cmpf oeq, %select_n3A_161, %eq3A_165 : vector<256x8192xf32>
    %jit3A_167 = arith.constant 1073741824 : i32
    %broadcast_in_dim3A_168 = vector.broadcast %jit3A_167 : i32 to vector<256x8192xi32>
    %select_n3A_169 = arith.select %eq3A_166, %iota3A, %broadcast_in_dim3A_168 : vector<256x8192xi1>, vector<256x8192xi32>
    %reduce_min3A_170 = arith.constant dense<2147483647> : vector<256xi32>
    %reduce_min3A_171 = vector.multi_reduction <minsi>, %select_n3A_169, %reduce_min3A_170 [1] : vector<256x8192xi32> to vector<256xi32>
    %broadcast_in_dim3A_172 = vector.shape_cast %reduce_min3A_171 : vector<256xi32> to vector<256x1xi32>
    %add3A_173 = vector.broadcast %mul3A_21 : i32 to vector<256x1xi32>
    %add3A_174 = arith.addi %broadcast_in_dim3A_172, %add3A_173 : vector<256x1xi32>
    %eq3A_175 = vector.broadcast %broadcast_in_dim3A_172 : vector<256x1xi32> to vector<256x8192xi32>
    %eq3A_176 = arith.cmpi eq, %iota3A, %eq3A_175 : vector<256x8192xi32>
    %jit3A_177 = arith.constant 0x7F800000 : f32
    %broadcast_in_dim3A_178 = vector.broadcast %jit3A_177 : f32 to vector<256x8192xf32>
    %select_n3A_179 = arith.select %eq3A_176, %broadcast_in_dim3A_178, %select_n3A_161 : vector<256x8192xi1>, vector<256x8192xf32>
    %reduce_min3A_180 = arith.constant dense<0x7F800000> : vector<256xf32>
    %reduce_min3A_181 = vector.multi_reduction <minimumf>, %select_n3A_179, %reduce_min3A_180 [1] : vector<256x8192xf32> to vector<256xf32>
    %broadcast_in_dim3A_182 = vector.shape_cast %reduce_min3A_181 : vector<256xf32> to vector<256x1xf32>
    %eq3A_183 = vector.broadcast %broadcast_in_dim3A_182 : vector<256x1xf32> to vector<256x8192xf32>
    %eq3A_184 = arith.cmpf oeq, %select_n3A_179, %eq3A_183 : vector<256x8192xf32>
    %jit3A_185 = arith.constant 1073741824 : i32
    %broadcast_in_dim3A_186 = vector.broadcast %jit3A_185 : i32 to vector<256x8192xi32>
    %select_n3A_187 = arith.select %eq3A_184, %iota3A, %broadcast_in_dim3A_186 : vector<256x8192xi1>, vector<256x8192xi32>
    %reduce_min3A_188 = arith.constant dense<2147483647> : vector<256xi32>
    %reduce_min3A_189 = vector.multi_reduction <minsi>, %select_n3A_187, %reduce_min3A_188 [1] : vector<256x8192xi32> to vector<256xi32>
    %broadcast_in_dim3A_190 = vector.shape_cast %reduce_min3A_189 : vector<256xi32> to vector<256x1xi32>
    %add3A_191 = vector.broadcast %mul3A_21 : i32 to vector<256x1xi32>
    %add3A_192 = arith.addi %broadcast_in_dim3A_190, %add3A_191 : vector<256x1xi32>
    %eq3A_193 = vector.broadcast %broadcast_in_dim3A_190 : vector<256x1xi32> to vector<256x8192xi32>
    %eq3A_194 = arith.cmpi eq, %iota3A, %eq3A_193 : vector<256x8192xi32>
    %jit3A_195 = arith.constant 0x7F800000 : f32
    %broadcast_in_dim3A_196 = vector.broadcast %jit3A_195 : f32 to vector<256x8192xf32>
    %select_n3A_197 = arith.select %eq3A_194, %broadcast_in_dim3A_196, %select_n3A_179 : vector<256x8192xi1>, vector<256x8192xf32>
    %reduce_min3A_198 = arith.constant dense<0x7F800000> : vector<256xf32>
    %reduce_min3A_199 = vector.multi_reduction <minimumf>, %select_n3A_197, %reduce_min3A_198 [1] : vector<256x8192xf32> to vector<256xf32>
    %broadcast_in_dim3A_200 = vector.shape_cast %reduce_min3A_199 : vector<256xf32> to vector<256x1xf32>
    %eq3A_201 = vector.broadcast %broadcast_in_dim3A_200 : vector<256x1xf32> to vector<256x8192xf32>
    %eq3A_202 = arith.cmpf oeq, %select_n3A_197, %eq3A_201 : vector<256x8192xf32>
    %jit3A_203 = arith.constant 1073741824 : i32
    %broadcast_in_dim3A_204 = vector.broadcast %jit3A_203 : i32 to vector<256x8192xi32>
    %select_n3A_205 = arith.select %eq3A_202, %iota3A, %broadcast_in_dim3A_204 : vector<256x8192xi1>, vector<256x8192xi32>
    %reduce_min3A_206 = arith.constant dense<2147483647> : vector<256xi32>
    %reduce_min3A_207 = vector.multi_reduction <minsi>, %select_n3A_205, %reduce_min3A_206 [1] : vector<256x8192xi32> to vector<256xi32>
    %broadcast_in_dim3A_208 = vector.shape_cast %reduce_min3A_207 : vector<256xi32> to vector<256x1xi32>
    %add3A_209 = vector.broadcast %mul3A_21 : i32 to vector<256x1xi32>
    %add3A_210 = arith.addi %broadcast_in_dim3A_208, %add3A_209 : vector<256x1xi32>
    %eq3A_211 = vector.broadcast %broadcast_in_dim3A_208 : vector<256x1xi32> to vector<256x8192xi32>
    %eq3A_212 = arith.cmpi eq, %iota3A, %eq3A_211 : vector<256x8192xi32>
    %jit3A_213 = arith.constant 0x7F800000 : f32
    %broadcast_in_dim3A_214 = vector.broadcast %jit3A_213 : f32 to vector<256x8192xf32>
    %select_n3A_215 = arith.select %eq3A_212, %broadcast_in_dim3A_214, %select_n3A_197 : vector<256x8192xi1>, vector<256x8192xf32>
    %reduce_min3A_216 = arith.constant dense<0x7F800000> : vector<256xf32>
    %reduce_min3A_217 = vector.multi_reduction <minimumf>, %select_n3A_215, %reduce_min3A_216 [1] : vector<256x8192xf32> to vector<256xf32>
    %broadcast_in_dim3A_218 = vector.shape_cast %reduce_min3A_217 : vector<256xf32> to vector<256x1xf32>
    %eq3A_219 = vector.broadcast %broadcast_in_dim3A_218 : vector<256x1xf32> to vector<256x8192xf32>
    %eq3A_220 = arith.cmpf oeq, %select_n3A_215, %eq3A_219 : vector<256x8192xf32>
    %jit3A_221 = arith.constant 1073741824 : i32
    %broadcast_in_dim3A_222 = vector.broadcast %jit3A_221 : i32 to vector<256x8192xi32>
    %select_n3A_223 = arith.select %eq3A_220, %iota3A, %broadcast_in_dim3A_222 : vector<256x8192xi1>, vector<256x8192xi32>
    %reduce_min3A_224 = arith.constant dense<2147483647> : vector<256xi32>
    %reduce_min3A_225 = vector.multi_reduction <minsi>, %select_n3A_223, %reduce_min3A_224 [1] : vector<256x8192xi32> to vector<256xi32>
    %broadcast_in_dim3A_226 = vector.shape_cast %reduce_min3A_225 : vector<256xi32> to vector<256x1xi32>
    %add3A_227 = vector.broadcast %mul3A_21 : i32 to vector<256x1xi32>
    %add3A_228 = arith.addi %broadcast_in_dim3A_226, %add3A_227 : vector<256x1xi32>
    %eq3A_229 = vector.broadcast %broadcast_in_dim3A_226 : vector<256x1xi32> to vector<256x8192xi32>
    %eq3A_230 = arith.cmpi eq, %iota3A, %eq3A_229 : vector<256x8192xi32>
    %jit3A_231 = arith.constant 0x7F800000 : f32
    %broadcast_in_dim3A_232 = vector.broadcast %jit3A_231 : f32 to vector<256x8192xf32>
    %select_n3A_233 = arith.select %eq3A_230, %broadcast_in_dim3A_232, %select_n3A_215 : vector<256x8192xi1>, vector<256x8192xf32>
    %reduce_min3A_234 = arith.constant dense<0x7F800000> : vector<256xf32>
    %reduce_min3A_235 = vector.multi_reduction <minimumf>, %select_n3A_233, %reduce_min3A_234 [1] : vector<256x8192xf32> to vector<256xf32>
    %broadcast_in_dim3A_236 = vector.shape_cast %reduce_min3A_235 : vector<256xf32> to vector<256x1xf32>
    %eq3A_237 = vector.broadcast %broadcast_in_dim3A_236 : vector<256x1xf32> to vector<256x8192xf32>
    %eq3A_238 = arith.cmpf oeq, %select_n3A_233, %eq3A_237 : vector<256x8192xf32>
    %jit3A_239 = arith.constant 1073741824 : i32
    %broadcast_in_dim3A_240 = vector.broadcast %jit3A_239 : i32 to vector<256x8192xi32>
    %select_n3A_241 = arith.select %eq3A_238, %iota3A, %broadcast_in_dim3A_240 : vector<256x8192xi1>, vector<256x8192xi32>
    %reduce_min3A_242 = arith.constant dense<2147483647> : vector<256xi32>
    %reduce_min3A_243 = vector.multi_reduction <minsi>, %select_n3A_241, %reduce_min3A_242 [1] : vector<256x8192xi32> to vector<256xi32>
    %broadcast_in_dim3A_244 = vector.shape_cast %reduce_min3A_243 : vector<256xi32> to vector<256x1xi32>
    %add3A_245 = vector.broadcast %mul3A_21 : i32 to vector<256x1xi32>
    %add3A_246 = arith.addi %broadcast_in_dim3A_244, %add3A_245 : vector<256x1xi32>
    %eq3A_247 = vector.broadcast %broadcast_in_dim3A_244 : vector<256x1xi32> to vector<256x8192xi32>
    %eq3A_248 = arith.cmpi eq, %iota3A, %eq3A_247 : vector<256x8192xi32>
    %jit3A_249 = arith.constant 0x7F800000 : f32
    %broadcast_in_dim3A_250 = vector.broadcast %jit3A_249 : f32 to vector<256x8192xf32>
    %select_n3A_251 = arith.select %eq3A_248, %broadcast_in_dim3A_250, %select_n3A_233 : vector<256x8192xi1>, vector<256x8192xf32>
    %reduce_min3A_252 = arith.constant dense<0x7F800000> : vector<256xf32>
    %reduce_min3A_253 = vector.multi_reduction <minimumf>, %select_n3A_251, %reduce_min3A_252 [1] : vector<256x8192xf32> to vector<256xf32>
    %broadcast_in_dim3A_254 = vector.shape_cast %reduce_min3A_253 : vector<256xf32> to vector<256x1xf32>
    %eq3A_255 = vector.broadcast %broadcast_in_dim3A_254 : vector<256x1xf32> to vector<256x8192xf32>
    %eq3A_256 = arith.cmpf oeq, %select_n3A_251, %eq3A_255 : vector<256x8192xf32>
    %jit3A_257 = arith.constant 1073741824 : i32
    %broadcast_in_dim3A_258 = vector.broadcast %jit3A_257 : i32 to vector<256x8192xi32>
    %select_n3A_259 = arith.select %eq3A_256, %iota3A, %broadcast_in_dim3A_258 : vector<256x8192xi1>, vector<256x8192xi32>
    %reduce_min3A_260 = arith.constant dense<2147483647> : vector<256xi32>
    %reduce_min3A_261 = vector.multi_reduction <minsi>, %select_n3A_259, %reduce_min3A_260 [1] : vector<256x8192xi32> to vector<256xi32>
    %broadcast_in_dim3A_262 = vector.shape_cast %reduce_min3A_261 : vector<256xi32> to vector<256x1xi32>
    %add3A_263 = vector.broadcast %mul3A_21 : i32 to vector<256x1xi32>
    %add3A_264 = arith.addi %broadcast_in_dim3A_262, %add3A_263 : vector<256x1xi32>
    %eq3A_265 = vector.broadcast %broadcast_in_dim3A_262 : vector<256x1xi32> to vector<256x8192xi32>
    %eq3A_266 = arith.cmpi eq, %iota3A, %eq3A_265 : vector<256x8192xi32>
    %jit3A_267 = arith.constant 0x7F800000 : f32
    %broadcast_in_dim3A_268 = vector.broadcast %jit3A_267 : f32 to vector<256x8192xf32>
    %select_n3A_269 = arith.select %eq3A_266, %broadcast_in_dim3A_268, %select_n3A_251 : vector<256x8192xi1>, vector<256x8192xf32>
    %reduce_min3A_270 = arith.constant dense<0x7F800000> : vector<256xf32>
    %reduce_min3A_271 = vector.multi_reduction <minimumf>, %select_n3A_269, %reduce_min3A_270 [1] : vector<256x8192xf32> to vector<256xf32>
    %broadcast_in_dim3A_272 = vector.shape_cast %reduce_min3A_271 : vector<256xf32> to vector<256x1xf32>
    %eq3A_273 = vector.broadcast %broadcast_in_dim3A_272 : vector<256x1xf32> to vector<256x8192xf32>
    %eq3A_274 = arith.cmpf oeq, %select_n3A_269, %eq3A_273 : vector<256x8192xf32>
    %jit3A_275 = arith.constant 1073741824 : i32
    %broadcast_in_dim3A_276 = vector.broadcast %jit3A_275 : i32 to vector<256x8192xi32>
    %select_n3A_277 = arith.select %eq3A_274, %iota3A, %broadcast_in_dim3A_276 : vector<256x8192xi1>, vector<256x8192xi32>
    %reduce_min3A_278 = arith.constant dense<2147483647> : vector<256xi32>
    %reduce_min3A_279 = vector.multi_reduction <minsi>, %select_n3A_277, %reduce_min3A_278 [1] : vector<256x8192xi32> to vector<256xi32>
    %broadcast_in_dim3A_280 = vector.shape_cast %reduce_min3A_279 : vector<256xi32> to vector<256x1xi32>
    %add3A_281 = vector.broadcast %mul3A_21 : i32 to vector<256x1xi32>
    %add3A_282 = arith.addi %broadcast_in_dim3A_280, %add3A_281 : vector<256x1xi32>
    %eq3A_283 = vector.broadcast %broadcast_in_dim3A_280 : vector<256x1xi32> to vector<256x8192xi32>
    %eq3A_284 = arith.cmpi eq, %iota3A, %eq3A_283 : vector<256x8192xi32>
    %jit3A_285 = arith.constant 0x7F800000 : f32
    %broadcast_in_dim3A_286 = vector.broadcast %jit3A_285 : f32 to vector<256x8192xf32>
    %select_n3A_287 = arith.select %eq3A_284, %broadcast_in_dim3A_286, %select_n3A_269 : vector<256x8192xi1>, vector<256x8192xf32>
    %reduce_min3A_288 = arith.constant dense<0x7F800000> : vector<256xf32>
    %reduce_min3A_289 = vector.multi_reduction <minimumf>, %select_n3A_287, %reduce_min3A_288 [1] : vector<256x8192xf32> to vector<256xf32>
    %broadcast_in_dim3A_290 = vector.shape_cast %reduce_min3A_289 : vector<256xf32> to vector<256x1xf32>
    %eq3A_291 = vector.broadcast %broadcast_in_dim3A_290 : vector<256x1xf32> to vector<256x8192xf32>
    %eq3A_292 = arith.cmpf oeq, %select_n3A_287, %eq3A_291 : vector<256x8192xf32>
    %jit3A_293 = arith.constant 1073741824 : i32
    %broadcast_in_dim3A_294 = vector.broadcast %jit3A_293 : i32 to vector<256x8192xi32>
    %select_n3A_295 = arith.select %eq3A_292, %iota3A, %broadcast_in_dim3A_294 : vector<256x8192xi1>, vector<256x8192xi32>
    %reduce_min3A_296 = arith.constant dense<2147483647> : vector<256xi32>
    %reduce_min3A_297 = vector.multi_reduction <minsi>, %select_n3A_295, %reduce_min3A_296 [1] : vector<256x8192xi32> to vector<256xi32>
    %broadcast_in_dim3A_298 = vector.shape_cast %reduce_min3A_297 : vector<256xi32> to vector<256x1xi32>
    %add3A_299 = vector.broadcast %mul3A_21 : i32 to vector<256x1xi32>
    %add3A_300 = arith.addi %broadcast_in_dim3A_298, %add3A_299 : vector<256x1xi32>
    %concatenate3A = tpu.concatenate %add3A_30, %add3A_48, %add3A_66, %add3A_84, %add3A_102, %add3A_120, %add3A_138, %add3A_156, %add3A_174, %add3A_192, %add3A_210, %add3A_228, %add3A_246, %add3A_264, %add3A_282, %add3A_300 in 1 : vector<256x1xi32>, vector<256x1xi32>, vector<256x1xi32>, vector<256x1xi32>, vector<256x1xi32>, vector<256x1xi32>, vector<256x1xi32>, vector<256x1xi32>, vector<256x1xi32>, vector<256x1xi32>, vector<256x1xi32>, vector<256x1xi32>, vector<256x1xi32>, vector<256x1xi32>, vector<256x1xi32>, vector<256x1xi32> -> vector<256x16xi32>
    %swap3A = arith.constant 0 : index
    %swap3A_301 = arith.constant 0 : index
    %swap3A_302 = arith.constant 0 : index
    %swap3A_303 = vector.load %arg4[%swap3A, %swap3A_301, %swap3A_302] : memref<1x256x16xi32, #tpu.memory_space<vmem>>, vector<1x256x16xi32>
    %swap3A_304 = vector.shape_cast %swap3A_303 : vector<1x256x16xi32> to vector<256x16xi32>
    %swap3A_305 = vector.shape_cast %concatenate3A : vector<256x16xi32> to vector<1x256x16xi32>
    tpu.vector_store %arg4[%swap3A, %swap3A_301, %swap3A_302], %swap3A_305 {strides = array<i32>} : memref<1x256x16xi32, #tpu.memory_space<vmem>>, vector<1x256x16xi32>,
    return
  }
  func.func @transform_0(%arg0: i32, %arg1: i32) -> (i32, i32, i32) {
    %c0_i32 = arith.constant 0 : i32
    %c0_i32_0 = arith.constant 0 : i32
    return %arg0, %arg1, %c0_i32 : i32, i32, i32
  }
  func.func @transform_1(%arg0: i32, %arg1: i32) -> (i32, i32, i32) {
    %c0_i32 = arith.constant 0 : i32
    %c0_i32_0 = arith.constant 0 : i32
    %c0_i32_1 = arith.constant 0 : i32
    return %arg0, %c0_i32, %c0_i32_0 : i32, i32, i32
  }
  func.func @transform_2(%arg0: i32, %arg1: i32) -> (i32, i32, i32) {
    %c0_i32 = arith.constant 0 : i32
    %c0_i32_0 = arith.constant 0 : i32
    return %arg0, %arg1, %c0_i32 : i32, i32, i32
  }
}

module attributes {stable_mosaic.version = 14 : i64} {
  func.func @_conv_body(%arg0: i32, %arg1: memref<16x256x384xf32, #tpu.memory_space<vmem>>, %arg2: memref<16x256x3xf32, #tpu.memory_space<vmem>>, %arg3: memref<3x8xf32, #tpu.memory_space<vmem>>, %arg4: memref<1x8xf32, #tpu.memory_space<vmem>>, %arg5: memref<8x16xf32, #tpu.memory_space<vmem>>, %arg6: memref<1x16xf32, #tpu.memory_space<vmem>>, %arg7: memref<6144x512xbf16, #tpu.memory_space<vmem>>, %arg8: memref<1x512xf32, #tpu.memory_space<vmem>>, %arg9: memref<256x512xf32, #tpu.memory_space<vmem>>) attributes {dimension_semantics = [#tpu.dimension_semantics<parallel>], iteration_bounds = array<i64: 16>, scalar_prefetch = 0 : i64, scratch_operands = 0 : i64, tpu.core_type = #tpu.core_type<tc>, window_params = [{transform_indices = @transform_0, window_bounds = array<i64: 16, 256, 384>}, {transform_indices = @transform_1, window_bounds = array<i64: 16, 256, 3>}, {pipeline_mode = #tpu.pipeline_mode<synchronous>, transform_indices = @transform_2, window_bounds = array<i64: 3, 8>}, {pipeline_mode = #tpu.pipeline_mode<synchronous>, transform_indices = @transform_3, window_bounds = array<i64: 1, 8>}, {pipeline_mode = #tpu.pipeline_mode<synchronous>, transform_indices = @transform_4, window_bounds = array<i64: 8, 16>}, {pipeline_mode = #tpu.pipeline_mode<synchronous>, transform_indices = @transform_5, window_bounds = array<i64: 1, 16>}, {pipeline_mode = #tpu.pipeline_mode<synchronous>, transform_indices = @transform_6, window_bounds = array<i64: 6144, 512>}, {pipeline_mode = #tpu.pipeline_mode<synchronous>, transform_indices = @transform_7, window_bounds = array<i64: 1, 512>}, {transform_indices = @transform_8, window_bounds = array<i64: 256, 512>}]} {
    %get3A = arith.constant 0 : index
    %get3A_0 = arith.constant 0 : index
    %get3A_1 = arith.constant 0 : index
    %get3A_2 = vector.load %arg1[%get3A, %get3A_0, %get3A_1] : memref<16x256x384xf32, #tpu.memory_space<vmem>>, vector<16x256x384xf32>
    %reshape3A = vector.shape_cast %get3A_2 : vector<16x256x384xf32> to vector<4096x384xf32>
    %slice3A = vector.extract_strided_slice %reshape3A {offsets = [0, 256], sizes = [4096, 3], strides = [1, 1]} : vector<4096x384xf32> to vector<4096x3xf32>
    %get3A_3 = arith.constant 0 : index
    %get3A_4 = arith.constant 0 : index
    %get3A_5 = arith.constant 0 : index
    %get3A_6 = vector.load %arg2[%get3A_3, %get3A_4, %get3A_5] : memref<16x256x3xf32, #tpu.memory_space<vmem>>, vector<16x256x3xf32>
    %reshape3A_7 = vector.shape_cast %get3A_6 : vector<16x256x3xf32> to vector<4096x3xf32>
    %sub3A = arith.subf %slice3A, %reshape3A_7 : vector<4096x3xf32>
    %get3A_8 = arith.constant 0 : index
    %get3A_9 = arith.constant 0 : index
    %get3A_10 = vector.load %arg3[%get3A_8, %get3A_9] : memref<3x8xf32, #tpu.memory_space<vmem>>, vector<3x8xf32>
    %dot_general3A = arith.constant dense<0.000000e+00> : vector<4096x8xf32>
    %dot_general3A_11 = tpu.matmul %sub3A, %get3A_10, %dot_general3A {dimension_numbers = #tpu.dot_dimension_numbers<[1], [0], [0], [1], [0, 0, 1, 1], [], []>, transpose_lhs_hint = false} : vector<4096x3xf32>, vector<3x8xf32>, vector<4096x8xf32> -> vector<4096x8xf32>
    %get3A_12 = arith.constant 0 : index
    %get3A_13 = arith.constant 0 : index
    %get3A_14 = vector.load %arg4[%get3A_12, %get3A_13] : memref<1x8xf32, #tpu.memory_space<vmem>>, vector<1x8xf32>
    %add3A = vector.broadcast %get3A_14 : vector<1x8xf32> to vector<4096x8xf32>
    %add3A_15 = arith.addf %dot_general3A_11, %add3A : vector<4096x8xf32>
    %jit3A = arith.constant 1.000000e-01 : f32
    %ge3A = arith.constant 0.000000e+00 : f32
    %ge3A_16 = vector.broadcast %ge3A : f32 to vector<4096x8xf32>
    %ge3A_17 = arith.cmpf oge, %add3A_15, %ge3A_16 : vector<4096x8xf32>
    %mul3A = vector.broadcast %jit3A : f32 to vector<4096x8xf32>
    %mul3A_18 = arith.mulf %mul3A, %add3A_15 : vector<4096x8xf32>
    %select_n3A = arith.select %ge3A_17, %add3A_15, %mul3A_18 : vector<4096x8xi1>, vector<4096x8xf32>
    %get3A_19 = arith.constant 0 : index
    %get3A_20 = arith.constant 0 : index
    %get3A_21 = vector.load %arg5[%get3A_19, %get3A_20] : memref<8x16xf32, #tpu.memory_space<vmem>>, vector<8x16xf32>
    %dot_general3A_22 = arith.constant dense<0.000000e+00> : vector<4096x16xf32>
    %dot_general3A_23 = tpu.matmul %select_n3A, %get3A_21, %dot_general3A_22 {dimension_numbers = #tpu.dot_dimension_numbers<[1], [0], [0], [1], [0, 0, 1, 1], [], []>, transpose_lhs_hint = false} : vector<4096x8xf32>, vector<8x16xf32>, vector<4096x16xf32> -> vector<4096x16xf32>
    %get3A_24 = arith.constant 0 : index
    %get3A_25 = arith.constant 0 : index
    %get3A_26 = vector.load %arg6[%get3A_24, %get3A_25] : memref<1x16xf32, #tpu.memory_space<vmem>>, vector<1x16xf32>
    %add3A_27 = vector.broadcast %get3A_26 : vector<1x16xf32> to vector<4096x16xf32>
    %add3A_28 = arith.addf %dot_general3A_23, %add3A_27 : vector<4096x16xf32>
    %jit3A_29 = arith.constant 1.000000e-01 : f32
    %ge3A_30 = arith.constant 0.000000e+00 : f32
    %ge3A_31 = vector.broadcast %ge3A_30 : f32 to vector<4096x16xf32>
    %ge3A_32 = arith.cmpf oge, %add3A_28, %ge3A_31 : vector<4096x16xf32>
    %mul3A_33 = vector.broadcast %jit3A_29 : f32 to vector<4096x16xf32>
    %mul3A_34 = arith.mulf %mul3A_33, %add3A_28 : vector<4096x16xf32>
    %select_n3A_35 = arith.select %ge3A_32, %add3A_28, %mul3A_34 : vector<4096x16xi1>, vector<4096x16xf32>
    %slice3A_36 = vector.extract_strided_slice %select_n3A_35 {offsets = [0, 0], sizes = [4096, 1], strides = [1, 1]} : vector<4096x16xf32> to vector<4096x1xf32>
    %mul3A_37 = vector.broadcast %slice3A_36 : vector<4096x1xf32> to vector<4096x384xf32>
    %mul3A_38 = arith.mulf %reshape3A, %mul3A_37 : vector<4096x384xf32>
    %slice3A_39 = vector.extract_strided_slice %mul3A_38 {offsets = [0, 0], sizes = [256, 384], strides = [1, 1]} : vector<4096x384xf32> to vector<256x384xf32>
    %slice3A_40 = vector.extract_strided_slice %mul3A_38 {offsets = [256, 0], sizes = [256, 384], strides = [1, 1]} : vector<4096x384xf32> to vector<256x384xf32>
    %add3A_41 = arith.addf %slice3A_39, %slice3A_40 : vector<256x384xf32>
    %slice3A_42 = vector.extract_strided_slice %mul3A_38 {offsets = [512, 0], sizes = [256, 384], strides = [1, 1]} : vector<4096x384xf32> to vector<256x384xf32>
    %add3A_43 = arith.addf %add3A_41, %slice3A_42 : vector<256x384xf32>
    %slice3A_44 = vector.extract_strided_slice %mul3A_38 {offsets = [768, 0], sizes = [256, 384], strides = [1, 1]} : vector<4096x384xf32> to vector<256x384xf32>
    %add3A_45 = arith.addf %add3A_43, %slice3A_44 : vector<256x384xf32>
    %slice3A_46 = vector.extract_strided_slice %mul3A_38 {offsets = [1024, 0], sizes = [256, 384], strides = [1, 1]} : vector<4096x384xf32> to vector<256x384xf32>
    %add3A_47 = arith.addf %add3A_45, %slice3A_46 : vector<256x384xf32>
    %slice3A_48 = vector.extract_strided_slice %mul3A_38 {offsets = [1280, 0], sizes = [256, 384], strides = [1, 1]} : vector<4096x384xf32> to vector<256x384xf32>
    %add3A_49 = arith.addf %add3A_47, %slice3A_48 : vector<256x384xf32>
    %slice3A_50 = vector.extract_strided_slice %mul3A_38 {offsets = [1536, 0], sizes = [256, 384], strides = [1, 1]} : vector<4096x384xf32> to vector<256x384xf32>
    %add3A_51 = arith.addf %add3A_49, %slice3A_50 : vector<256x384xf32>
    %slice3A_52 = vector.extract_strided_slice %mul3A_38 {offsets = [1792, 0], sizes = [256, 384], strides = [1, 1]} : vector<4096x384xf32> to vector<256x384xf32>
    %add3A_53 = arith.addf %add3A_51, %slice3A_52 : vector<256x384xf32>
    %slice3A_54 = vector.extract_strided_slice %mul3A_38 {offsets = [2048, 0], sizes = [256, 384], strides = [1, 1]} : vector<4096x384xf32> to vector<256x384xf32>
    %add3A_55 = arith.addf %add3A_53, %slice3A_54 : vector<256x384xf32>
    %slice3A_56 = vector.extract_strided_slice %mul3A_38 {offsets = [2304, 0], sizes = [256, 384], strides = [1, 1]} : vector<4096x384xf32> to vector<256x384xf32>
    %add3A_57 = arith.addf %add3A_55, %slice3A_56 : vector<256x384xf32>
    %slice3A_58 = vector.extract_strided_slice %mul3A_38 {offsets = [2560, 0], sizes = [256, 384], strides = [1, 1]} : vector<4096x384xf32> to vector<256x384xf32>
    %add3A_59 = arith.addf %add3A_57, %slice3A_58 : vector<256x384xf32>
    %slice3A_60 = vector.extract_strided_slice %mul3A_38 {offsets = [2816, 0], sizes = [256, 384], strides = [1, 1]} : vector<4096x384xf32> to vector<256x384xf32>
    %add3A_61 = arith.addf %add3A_59, %slice3A_60 : vector<256x384xf32>
    %slice3A_62 = vector.extract_strided_slice %mul3A_38 {offsets = [3072, 0], sizes = [256, 384], strides = [1, 1]} : vector<4096x384xf32> to vector<256x384xf32>
    %add3A_63 = arith.addf %add3A_61, %slice3A_62 : vector<256x384xf32>
    %slice3A_64 = vector.extract_strided_slice %mul3A_38 {offsets = [3328, 0], sizes = [256, 384], strides = [1, 1]} : vector<4096x384xf32> to vector<256x384xf32>
    %add3A_65 = arith.addf %add3A_63, %slice3A_64 : vector<256x384xf32>
    %slice3A_66 = vector.extract_strided_slice %mul3A_38 {offsets = [3584, 0], sizes = [256, 384], strides = [1, 1]} : vector<4096x384xf32> to vector<256x384xf32>
    %add3A_67 = arith.addf %add3A_65, %slice3A_66 : vector<256x384xf32>
    %slice3A_68 = vector.extract_strided_slice %mul3A_38 {offsets = [3840, 0], sizes = [256, 384], strides = [1, 1]} : vector<4096x384xf32> to vector<256x384xf32>
    %add3A_69 = arith.addf %add3A_67, %slice3A_68 : vector<256x384xf32>
    %slice3A_70 = vector.extract_strided_slice %select_n3A_35 {offsets = [0, 1], sizes = [4096, 1], strides = [1, 1]} : vector<4096x16xf32> to vector<4096x1xf32>
    %mul3A_71 = vector.broadcast %slice3A_70 : vector<4096x1xf32> to vector<4096x384xf32>
    %mul3A_72 = arith.mulf %reshape3A, %mul3A_71 : vector<4096x384xf32>
    %slice3A_73 = vector.extract_strided_slice %mul3A_72 {offsets = [0, 0], sizes = [256, 384], strides = [1, 1]} : vector<4096x384xf32> to vector<256x384xf32>
    %slice3A_74 = vector.extract_strided_slice %mul3A_72 {offsets = [256, 0], sizes = [256, 384], strides = [1, 1]} : vector<4096x384xf32> to vector<256x384xf32>
    %add3A_75 = arith.addf %slice3A_73, %slice3A_74 : vector<256x384xf32>
    %slice3A_76 = vector.extract_strided_slice %mul3A_72 {offsets = [512, 0], sizes = [256, 384], strides = [1, 1]} : vector<4096x384xf32> to vector<256x384xf32>
    %add3A_77 = arith.addf %add3A_75, %slice3A_76 : vector<256x384xf32>
    %slice3A_78 = vector.extract_strided_slice %mul3A_72 {offsets = [768, 0], sizes = [256, 384], strides = [1, 1]} : vector<4096x384xf32> to vector<256x384xf32>
    %add3A_79 = arith.addf %add3A_77, %slice3A_78 : vector<256x384xf32>
    %slice3A_80 = vector.extract_strided_slice %mul3A_72 {offsets = [1024, 0], sizes = [256, 384], strides = [1, 1]} : vector<4096x384xf32> to vector<256x384xf32>
    %add3A_81 = arith.addf %add3A_79, %slice3A_80 : vector<256x384xf32>
    %slice3A_82 = vector.extract_strided_slice %mul3A_72 {offsets = [1280, 0], sizes = [256, 384], strides = [1, 1]} : vector<4096x384xf32> to vector<256x384xf32>
    %add3A_83 = arith.addf %add3A_81, %slice3A_82 : vector<256x384xf32>
    %slice3A_84 = vector.extract_strided_slice %mul3A_72 {offsets = [1536, 0], sizes = [256, 384], strides = [1, 1]} : vector<4096x384xf32> to vector<256x384xf32>
    %add3A_85 = arith.addf %add3A_83, %slice3A_84 : vector<256x384xf32>
    %slice3A_86 = vector.extract_strided_slice %mul3A_72 {offsets = [1792, 0], sizes = [256, 384], strides = [1, 1]} : vector<4096x384xf32> to vector<256x384xf32>
    %add3A_87 = arith.addf %add3A_85, %slice3A_86 : vector<256x384xf32>
    %slice3A_88 = vector.extract_strided_slice %mul3A_72 {offsets = [2048, 0], sizes = [256, 384], strides = [1, 1]} : vector<4096x384xf32> to vector<256x384xf32>
    %add3A_89 = arith.addf %add3A_87, %slice3A_88 : vector<256x384xf32>
    %slice3A_90 = vector.extract_strided_slice %mul3A_72 {offsets = [2304, 0], sizes = [256, 384], strides = [1, 1]} : vector<4096x384xf32> to vector<256x384xf32>
    %add3A_91 = arith.addf %add3A_89, %slice3A_90 : vector<256x384xf32>
    %slice3A_92 = vector.extract_strided_slice %mul3A_72 {offsets = [2560, 0], sizes = [256, 384], strides = [1, 1]} : vector<4096x384xf32> to vector<256x384xf32>
    %add3A_93 = arith.addf %add3A_91, %slice3A_92 : vector<256x384xf32>
    %slice3A_94 = vector.extract_strided_slice %mul3A_72 {offsets = [2816, 0], sizes = [256, 384], strides = [1, 1]} : vector<4096x384xf32> to vector<256x384xf32>
    %add3A_95 = arith.addf %add3A_93, %slice3A_94 : vector<256x384xf32>
    %slice3A_96 = vector.extract_strided_slice %mul3A_72 {offsets = [3072, 0], sizes = [256, 384], strides = [1, 1]} : vector<4096x384xf32> to vector<256x384xf32>
    %add3A_97 = arith.addf %add3A_95, %slice3A_96 : vector<256x384xf32>
    %slice3A_98 = vector.extract_strided_slice %mul3A_72 {offsets = [3328, 0], sizes = [256, 384], strides = [1, 1]} : vector<4096x384xf32> to vector<256x384xf32>
    %add3A_99 = arith.addf %add3A_97, %slice3A_98 : vector<256x384xf32>
    %slice3A_100 = vector.extract_strided_slice %mul3A_72 {offsets = [3584, 0], sizes = [256, 384], strides = [1, 1]} : vector<4096x384xf32> to vector<256x384xf32>
    %add3A_101 = arith.addf %add3A_99, %slice3A_100 : vector<256x384xf32>
    %slice3A_102 = vector.extract_strided_slice %mul3A_72 {offsets = [3840, 0], sizes = [256, 384], strides = [1, 1]} : vector<4096x384xf32> to vector<256x384xf32>
    %add3A_103 = arith.addf %add3A_101, %slice3A_102 : vector<256x384xf32>
    %slice3A_104 = vector.extract_strided_slice %select_n3A_35 {offsets = [0, 2], sizes = [4096, 1], strides = [1, 1]} : vector<4096x16xf32> to vector<4096x1xf32>
    %mul3A_105 = vector.broadcast %slice3A_104 : vector<4096x1xf32> to vector<4096x384xf32>
    %mul3A_106 = arith.mulf %reshape3A, %mul3A_105 : vector<4096x384xf32>
    %slice3A_107 = vector.extract_strided_slice %mul3A_106 {offsets = [0, 0], sizes = [256, 384], strides = [1, 1]} : vector<4096x384xf32> to vector<256x384xf32>
    %slice3A_108 = vector.extract_strided_slice %mul3A_106 {offsets = [256, 0], sizes = [256, 384], strides = [1, 1]} : vector<4096x384xf32> to vector<256x384xf32>
    %add3A_109 = arith.addf %slice3A_107, %slice3A_108 : vector<256x384xf32>
    %slice3A_110 = vector.extract_strided_slice %mul3A_106 {offsets = [512, 0], sizes = [256, 384], strides = [1, 1]} : vector<4096x384xf32> to vector<256x384xf32>
    %add3A_111 = arith.addf %add3A_109, %slice3A_110 : vector<256x384xf32>
    %slice3A_112 = vector.extract_strided_slice %mul3A_106 {offsets = [768, 0], sizes = [256, 384], strides = [1, 1]} : vector<4096x384xf32> to vector<256x384xf32>
    %add3A_113 = arith.addf %add3A_111, %slice3A_112 : vector<256x384xf32>
    %slice3A_114 = vector.extract_strided_slice %mul3A_106 {offsets = [1024, 0], sizes = [256, 384], strides = [1, 1]} : vector<4096x384xf32> to vector<256x384xf32>
    %add3A_115 = arith.addf %add3A_113, %slice3A_114 : vector<256x384xf32>
    %slice3A_116 = vector.extract_strided_slice %mul3A_106 {offsets = [1280, 0], sizes = [256, 384], strides = [1, 1]} : vector<4096x384xf32> to vector<256x384xf32>
    %add3A_117 = arith.addf %add3A_115, %slice3A_116 : vector<256x384xf32>
    %slice3A_118 = vector.extract_strided_slice %mul3A_106 {offsets = [1536, 0], sizes = [256, 384], strides = [1, 1]} : vector<4096x384xf32> to vector<256x384xf32>
    %add3A_119 = arith.addf %add3A_117, %slice3A_118 : vector<256x384xf32>
    %slice3A_120 = vector.extract_strided_slice %mul3A_106 {offsets = [1792, 0], sizes = [256, 384], strides = [1, 1]} : vector<4096x384xf32> to vector<256x384xf32>
    %add3A_121 = arith.addf %add3A_119, %slice3A_120 : vector<256x384xf32>
    %slice3A_122 = vector.extract_strided_slice %mul3A_106 {offsets = [2048, 0], sizes = [256, 384], strides = [1, 1]} : vector<4096x384xf32> to vector<256x384xf32>
    %add3A_123 = arith.addf %add3A_121, %slice3A_122 : vector<256x384xf32>
    %slice3A_124 = vector.extract_strided_slice %mul3A_106 {offsets = [2304, 0], sizes = [256, 384], strides = [1, 1]} : vector<4096x384xf32> to vector<256x384xf32>
    %add3A_125 = arith.addf %add3A_123, %slice3A_124 : vector<256x384xf32>
    %slice3A_126 = vector.extract_strided_slice %mul3A_106 {offsets = [2560, 0], sizes = [256, 384], strides = [1, 1]} : vector<4096x384xf32> to vector<256x384xf32>
    %add3A_127 = arith.addf %add3A_125, %slice3A_126 : vector<256x384xf32>
    %slice3A_128 = vector.extract_strided_slice %mul3A_106 {offsets = [2816, 0], sizes = [256, 384], strides = [1, 1]} : vector<4096x384xf32> to vector<256x384xf32>
    %add3A_129 = arith.addf %add3A_127, %slice3A_128 : vector<256x384xf32>
    %slice3A_130 = vector.extract_strided_slice %mul3A_106 {offsets = [3072, 0], sizes = [256, 384], strides = [1, 1]} : vector<4096x384xf32> to vector<256x384xf32>
    %add3A_131 = arith.addf %add3A_129, %slice3A_130 : vector<256x384xf32>
    %slice3A_132 = vector.extract_strided_slice %mul3A_106 {offsets = [3328, 0], sizes = [256, 384], strides = [1, 1]} : vector<4096x384xf32> to vector<256x384xf32>
    %add3A_133 = arith.addf %add3A_131, %slice3A_132 : vector<256x384xf32>
    %slice3A_134 = vector.extract_strided_slice %mul3A_106 {offsets = [3584, 0], sizes = [256, 384], strides = [1, 1]} : vector<4096x384xf32> to vector<256x384xf32>
    %add3A_135 = arith.addf %add3A_133, %slice3A_134 : vector<256x384xf32>
    %slice3A_136 = vector.extract_strided_slice %mul3A_106 {offsets = [3840, 0], sizes = [256, 384], strides = [1, 1]} : vector<4096x384xf32> to vector<256x384xf32>
    %add3A_137 = arith.addf %add3A_135, %slice3A_136 : vector<256x384xf32>
    %slice3A_138 = vector.extract_strided_slice %select_n3A_35 {offsets = [0, 3], sizes = [4096, 1], strides = [1, 1]} : vector<4096x16xf32> to vector<4096x1xf32>
    %mul3A_139 = vector.broadcast %slice3A_138 : vector<4096x1xf32> to vector<4096x384xf32>
    %mul3A_140 = arith.mulf %reshape3A, %mul3A_139 : vector<4096x384xf32>
    %slice3A_141 = vector.extract_strided_slice %mul3A_140 {offsets = [0, 0], sizes = [256, 384], strides = [1, 1]} : vector<4096x384xf32> to vector<256x384xf32>
    %slice3A_142 = vector.extract_strided_slice %mul3A_140 {offsets = [256, 0], sizes = [256, 384], strides = [1, 1]} : vector<4096x384xf32> to vector<256x384xf32>
    %add3A_143 = arith.addf %slice3A_141, %slice3A_142 : vector<256x384xf32>
    %slice3A_144 = vector.extract_strided_slice %mul3A_140 {offsets = [512, 0], sizes = [256, 384], strides = [1, 1]} : vector<4096x384xf32> to vector<256x384xf32>
    %add3A_145 = arith.addf %add3A_143, %slice3A_144 : vector<256x384xf32>
    %slice3A_146 = vector.extract_strided_slice %mul3A_140 {offsets = [768, 0], sizes = [256, 384], strides = [1, 1]} : vector<4096x384xf32> to vector<256x384xf32>
    %add3A_147 = arith.addf %add3A_145, %slice3A_146 : vector<256x384xf32>
    %slice3A_148 = vector.extract_strided_slice %mul3A_140 {offsets = [1024, 0], sizes = [256, 384], strides = [1, 1]} : vector<4096x384xf32> to vector<256x384xf32>
    %add3A_149 = arith.addf %add3A_147, %slice3A_148 : vector<256x384xf32>
    %slice3A_150 = vector.extract_strided_slice %mul3A_140 {offsets = [1280, 0], sizes = [256, 384], strides = [1, 1]} : vector<4096x384xf32> to vector<256x384xf32>
    %add3A_151 = arith.addf %add3A_149, %slice3A_150 : vector<256x384xf32>
    %slice3A_152 = vector.extract_strided_slice %mul3A_140 {offsets = [1536, 0], sizes = [256, 384], strides = [1, 1]} : vector<4096x384xf32> to vector<256x384xf32>
    %add3A_153 = arith.addf %add3A_151, %slice3A_152 : vector<256x384xf32>
    %slice3A_154 = vector.extract_strided_slice %mul3A_140 {offsets = [1792, 0], sizes = [256, 384], strides = [1, 1]} : vector<4096x384xf32> to vector<256x384xf32>
    %add3A_155 = arith.addf %add3A_153, %slice3A_154 : vector<256x384xf32>
    %slice3A_156 = vector.extract_strided_slice %mul3A_140 {offsets = [2048, 0], sizes = [256, 384], strides = [1, 1]} : vector<4096x384xf32> to vector<256x384xf32>
    %add3A_157 = arith.addf %add3A_155, %slice3A_156 : vector<256x384xf32>
    %slice3A_158 = vector.extract_strided_slice %mul3A_140 {offsets = [2304, 0], sizes = [256, 384], strides = [1, 1]} : vector<4096x384xf32> to vector<256x384xf32>
    %add3A_159 = arith.addf %add3A_157, %slice3A_158 : vector<256x384xf32>
    %slice3A_160 = vector.extract_strided_slice %mul3A_140 {offsets = [2560, 0], sizes = [256, 384], strides = [1, 1]} : vector<4096x384xf32> to vector<256x384xf32>
    %add3A_161 = arith.addf %add3A_159, %slice3A_160 : vector<256x384xf32>
    %slice3A_162 = vector.extract_strided_slice %mul3A_140 {offsets = [2816, 0], sizes = [256, 384], strides = [1, 1]} : vector<4096x384xf32> to vector<256x384xf32>
    %add3A_163 = arith.addf %add3A_161, %slice3A_162 : vector<256x384xf32>
    %slice3A_164 = vector.extract_strided_slice %mul3A_140 {offsets = [3072, 0], sizes = [256, 384], strides = [1, 1]} : vector<4096x384xf32> to vector<256x384xf32>
    %add3A_165 = arith.addf %add3A_163, %slice3A_164 : vector<256x384xf32>
    %slice3A_166 = vector.extract_strided_slice %mul3A_140 {offsets = [3328, 0], sizes = [256, 384], strides = [1, 1]} : vector<4096x384xf32> to vector<256x384xf32>
    %add3A_167 = arith.addf %add3A_165, %slice3A_166 : vector<256x384xf32>
    %slice3A_168 = vector.extract_strided_slice %mul3A_140 {offsets = [3584, 0], sizes = [256, 384], strides = [1, 1]} : vector<4096x384xf32> to vector<256x384xf32>
    %add3A_169 = arith.addf %add3A_167, %slice3A_168 : vector<256x384xf32>
    %slice3A_170 = vector.extract_strided_slice %mul3A_140 {offsets = [3840, 0], sizes = [256, 384], strides = [1, 1]} : vector<4096x384xf32> to vector<256x384xf32>
    %add3A_171 = arith.addf %add3A_169, %slice3A_170 : vector<256x384xf32>
    %slice3A_172 = vector.extract_strided_slice %select_n3A_35 {offsets = [0, 4], sizes = [4096, 1], strides = [1, 1]} : vector<4096x16xf32> to vector<4096x1xf32>
    %mul3A_173 = vector.broadcast %slice3A_172 : vector<4096x1xf32> to vector<4096x384xf32>
    %mul3A_174 = arith.mulf %reshape3A, %mul3A_173 : vector<4096x384xf32>
    %slice3A_175 = vector.extract_strided_slice %mul3A_174 {offsets = [0, 0], sizes = [256, 384], strides = [1, 1]} : vector<4096x384xf32> to vector<256x384xf32>
    %slice3A_176 = vector.extract_strided_slice %mul3A_174 {offsets = [256, 0], sizes = [256, 384], strides = [1, 1]} : vector<4096x384xf32> to vector<256x384xf32>
    %add3A_177 = arith.addf %slice3A_175, %slice3A_176 : vector<256x384xf32>
    %slice3A_178 = vector.extract_strided_slice %mul3A_174 {offsets = [512, 0], sizes = [256, 384], strides = [1, 1]} : vector<4096x384xf32> to vector<256x384xf32>
    %add3A_179 = arith.addf %add3A_177, %slice3A_178 : vector<256x384xf32>
    %slice3A_180 = vector.extract_strided_slice %mul3A_174 {offsets = [768, 0], sizes = [256, 384], strides = [1, 1]} : vector<4096x384xf32> to vector<256x384xf32>
    %add3A_181 = arith.addf %add3A_179, %slice3A_180 : vector<256x384xf32>
    %slice3A_182 = vector.extract_strided_slice %mul3A_174 {offsets = [1024, 0], sizes = [256, 384], strides = [1, 1]} : vector<4096x384xf32> to vector<256x384xf32>
    %add3A_183 = arith.addf %add3A_181, %slice3A_182 : vector<256x384xf32>
    %slice3A_184 = vector.extract_strided_slice %mul3A_174 {offsets = [1280, 0], sizes = [256, 384], strides = [1, 1]} : vector<4096x384xf32> to vector<256x384xf32>
    %add3A_185 = arith.addf %add3A_183, %slice3A_184 : vector<256x384xf32>
    %slice3A_186 = vector.extract_strided_slice %mul3A_174 {offsets = [1536, 0], sizes = [256, 384], strides = [1, 1]} : vector<4096x384xf32> to vector<256x384xf32>
    %add3A_187 = arith.addf %add3A_185, %slice3A_186 : vector<256x384xf32>
    %slice3A_188 = vector.extract_strided_slice %mul3A_174 {offsets = [1792, 0], sizes = [256, 384], strides = [1, 1]} : vector<4096x384xf32> to vector<256x384xf32>
    %add3A_189 = arith.addf %add3A_187, %slice3A_188 : vector<256x384xf32>
    %slice3A_190 = vector.extract_strided_slice %mul3A_174 {offsets = [2048, 0], sizes = [256, 384], strides = [1, 1]} : vector<4096x384xf32> to vector<256x384xf32>
    %add3A_191 = arith.addf %add3A_189, %slice3A_190 : vector<256x384xf32>
    %slice3A_192 = vector.extract_strided_slice %mul3A_174 {offsets = [2304, 0], sizes = [256, 384], strides = [1, 1]} : vector<4096x384xf32> to vector<256x384xf32>
    %add3A_193 = arith.addf %add3A_191, %slice3A_192 : vector<256x384xf32>
    %slice3A_194 = vector.extract_strided_slice %mul3A_174 {offsets = [2560, 0], sizes = [256, 384], strides = [1, 1]} : vector<4096x384xf32> to vector<256x384xf32>
    %add3A_195 = arith.addf %add3A_193, %slice3A_194 : vector<256x384xf32>
    %slice3A_196 = vector.extract_strided_slice %mul3A_174 {offsets = [2816, 0], sizes = [256, 384], strides = [1, 1]} : vector<4096x384xf32> to vector<256x384xf32>
    %add3A_197 = arith.addf %add3A_195, %slice3A_196 : vector<256x384xf32>
    %slice3A_198 = vector.extract_strided_slice %mul3A_174 {offsets = [3072, 0], sizes = [256, 384], strides = [1, 1]} : vector<4096x384xf32> to vector<256x384xf32>
    %add3A_199 = arith.addf %add3A_197, %slice3A_198 : vector<256x384xf32>
    %slice3A_200 = vector.extract_strided_slice %mul3A_174 {offsets = [3328, 0], sizes = [256, 384], strides = [1, 1]} : vector<4096x384xf32> to vector<256x384xf32>
    %add3A_201 = arith.addf %add3A_199, %slice3A_200 : vector<256x384xf32>
    %slice3A_202 = vector.extract_strided_slice %mul3A_174 {offsets = [3584, 0], sizes = [256, 384], strides = [1, 1]} : vector<4096x384xf32> to vector<256x384xf32>
    %add3A_203 = arith.addf %add3A_201, %slice3A_202 : vector<256x384xf32>
    %slice3A_204 = vector.extract_strided_slice %mul3A_174 {offsets = [3840, 0], sizes = [256, 384], strides = [1, 1]} : vector<4096x384xf32> to vector<256x384xf32>
    %add3A_205 = arith.addf %add3A_203, %slice3A_204 : vector<256x384xf32>
    %slice3A_206 = vector.extract_strided_slice %select_n3A_35 {offsets = [0, 5], sizes = [4096, 1], strides = [1, 1]} : vector<4096x16xf32> to vector<4096x1xf32>
    %mul3A_207 = vector.broadcast %slice3A_206 : vector<4096x1xf32> to vector<4096x384xf32>
    %mul3A_208 = arith.mulf %reshape3A, %mul3A_207 : vector<4096x384xf32>
    %slice3A_209 = vector.extract_strided_slice %mul3A_208 {offsets = [0, 0], sizes = [256, 384], strides = [1, 1]} : vector<4096x384xf32> to vector<256x384xf32>
    %slice3A_210 = vector.extract_strided_slice %mul3A_208 {offsets = [256, 0], sizes = [256, 384], strides = [1, 1]} : vector<4096x384xf32> to vector<256x384xf32>
    %add3A_211 = arith.addf %slice3A_209, %slice3A_210 : vector<256x384xf32>
    %slice3A_212 = vector.extract_strided_slice %mul3A_208 {offsets = [512, 0], sizes = [256, 384], strides = [1, 1]} : vector<4096x384xf32> to vector<256x384xf32>
    %add3A_213 = arith.addf %add3A_211, %slice3A_212 : vector<256x384xf32>
    %slice3A_214 = vector.extract_strided_slice %mul3A_208 {offsets = [768, 0], sizes = [256, 384], strides = [1, 1]} : vector<4096x384xf32> to vector<256x384xf32>
    %add3A_215 = arith.addf %add3A_213, %slice3A_214 : vector<256x384xf32>
    %slice3A_216 = vector.extract_strided_slice %mul3A_208 {offsets = [1024, 0], sizes = [256, 384], strides = [1, 1]} : vector<4096x384xf32> to vector<256x384xf32>
    %add3A_217 = arith.addf %add3A_215, %slice3A_216 : vector<256x384xf32>
    %slice3A_218 = vector.extract_strided_slice %mul3A_208 {offsets = [1280, 0], sizes = [256, 384], strides = [1, 1]} : vector<4096x384xf32> to vector<256x384xf32>
    %add3A_219 = arith.addf %add3A_217, %slice3A_218 : vector<256x384xf32>
    %slice3A_220 = vector.extract_strided_slice %mul3A_208 {offsets = [1536, 0], sizes = [256, 384], strides = [1, 1]} : vector<4096x384xf32> to vector<256x384xf32>
    %add3A_221 = arith.addf %add3A_219, %slice3A_220 : vector<256x384xf32>
    %slice3A_222 = vector.extract_strided_slice %mul3A_208 {offsets = [1792, 0], sizes = [256, 384], strides = [1, 1]} : vector<4096x384xf32> to vector<256x384xf32>
    %add3A_223 = arith.addf %add3A_221, %slice3A_222 : vector<256x384xf32>
    %slice3A_224 = vector.extract_strided_slice %mul3A_208 {offsets = [2048, 0], sizes = [256, 384], strides = [1, 1]} : vector<4096x384xf32> to vector<256x384xf32>
    %add3A_225 = arith.addf %add3A_223, %slice3A_224 : vector<256x384xf32>
    %slice3A_226 = vector.extract_strided_slice %mul3A_208 {offsets = [2304, 0], sizes = [256, 384], strides = [1, 1]} : vector<4096x384xf32> to vector<256x384xf32>
    %add3A_227 = arith.addf %add3A_225, %slice3A_226 : vector<256x384xf32>
    %slice3A_228 = vector.extract_strided_slice %mul3A_208 {offsets = [2560, 0], sizes = [256, 384], strides = [1, 1]} : vector<4096x384xf32> to vector<256x384xf32>
    %add3A_229 = arith.addf %add3A_227, %slice3A_228 : vector<256x384xf32>
    %slice3A_230 = vector.extract_strided_slice %mul3A_208 {offsets = [2816, 0], sizes = [256, 384], strides = [1, 1]} : vector<4096x384xf32> to vector<256x384xf32>
    %add3A_231 = arith.addf %add3A_229, %slice3A_230 : vector<256x384xf32>
    %slice3A_232 = vector.extract_strided_slice %mul3A_208 {offsets = [3072, 0], sizes = [256, 384], strides = [1, 1]} : vector<4096x384xf32> to vector<256x384xf32>
    %add3A_233 = arith.addf %add3A_231, %slice3A_232 : vector<256x384xf32>
    %slice3A_234 = vector.extract_strided_slice %mul3A_208 {offsets = [3328, 0], sizes = [256, 384], strides = [1, 1]} : vector<4096x384xf32> to vector<256x384xf32>
    %add3A_235 = arith.addf %add3A_233, %slice3A_234 : vector<256x384xf32>
    %slice3A_236 = vector.extract_strided_slice %mul3A_208 {offsets = [3584, 0], sizes = [256, 384], strides = [1, 1]} : vector<4096x384xf32> to vector<256x384xf32>
    %add3A_237 = arith.addf %add3A_235, %slice3A_236 : vector<256x384xf32>
    %slice3A_238 = vector.extract_strided_slice %mul3A_208 {offsets = [3840, 0], sizes = [256, 384], strides = [1, 1]} : vector<4096x384xf32> to vector<256x384xf32>
    %add3A_239 = arith.addf %add3A_237, %slice3A_238 : vector<256x384xf32>
    %slice3A_240 = vector.extract_strided_slice %select_n3A_35 {offsets = [0, 6], sizes = [4096, 1], strides = [1, 1]} : vector<4096x16xf32> to vector<4096x1xf32>
    %mul3A_241 = vector.broadcast %slice3A_240 : vector<4096x1xf32> to vector<4096x384xf32>
    %mul3A_242 = arith.mulf %reshape3A, %mul3A_241 : vector<4096x384xf32>
    %slice3A_243 = vector.extract_strided_slice %mul3A_242 {offsets = [0, 0], sizes = [256, 384], strides = [1, 1]} : vector<4096x384xf32> to vector<256x384xf32>
    %slice3A_244 = vector.extract_strided_slice %mul3A_242 {offsets = [256, 0], sizes = [256, 384], strides = [1, 1]} : vector<4096x384xf32> to vector<256x384xf32>
    %add3A_245 = arith.addf %slice3A_243, %slice3A_244 : vector<256x384xf32>
    %slice3A_246 = vector.extract_strided_slice %mul3A_242 {offsets = [512, 0], sizes = [256, 384], strides = [1, 1]} : vector<4096x384xf32> to vector<256x384xf32>
    %add3A_247 = arith.addf %add3A_245, %slice3A_246 : vector<256x384xf32>
    %slice3A_248 = vector.extract_strided_slice %mul3A_242 {offsets = [768, 0], sizes = [256, 384], strides = [1, 1]} : vector<4096x384xf32> to vector<256x384xf32>
    %add3A_249 = arith.addf %add3A_247, %slice3A_248 : vector<256x384xf32>
    %slice3A_250 = vector.extract_strided_slice %mul3A_242 {offsets = [1024, 0], sizes = [256, 384], strides = [1, 1]} : vector<4096x384xf32> to vector<256x384xf32>
    %add3A_251 = arith.addf %add3A_249, %slice3A_250 : vector<256x384xf32>
    %slice3A_252 = vector.extract_strided_slice %mul3A_242 {offsets = [1280, 0], sizes = [256, 384], strides = [1, 1]} : vector<4096x384xf32> to vector<256x384xf32>
    %add3A_253 = arith.addf %add3A_251, %slice3A_252 : vector<256x384xf32>
    %slice3A_254 = vector.extract_strided_slice %mul3A_242 {offsets = [1536, 0], sizes = [256, 384], strides = [1, 1]} : vector<4096x384xf32> to vector<256x384xf32>
    %add3A_255 = arith.addf %add3A_253, %slice3A_254 : vector<256x384xf32>
    %slice3A_256 = vector.extract_strided_slice %mul3A_242 {offsets = [1792, 0], sizes = [256, 384], strides = [1, 1]} : vector<4096x384xf32> to vector<256x384xf32>
    %add3A_257 = arith.addf %add3A_255, %slice3A_256 : vector<256x384xf32>
    %slice3A_258 = vector.extract_strided_slice %mul3A_242 {offsets = [2048, 0], sizes = [256, 384], strides = [1, 1]} : vector<4096x384xf32> to vector<256x384xf32>
    %add3A_259 = arith.addf %add3A_257, %slice3A_258 : vector<256x384xf32>
    %slice3A_260 = vector.extract_strided_slice %mul3A_242 {offsets = [2304, 0], sizes = [256, 384], strides = [1, 1]} : vector<4096x384xf32> to vector<256x384xf32>
    %add3A_261 = arith.addf %add3A_259, %slice3A_260 : vector<256x384xf32>
    %slice3A_262 = vector.extract_strided_slice %mul3A_242 {offsets = [2560, 0], sizes = [256, 384], strides = [1, 1]} : vector<4096x384xf32> to vector<256x384xf32>
    %add3A_263 = arith.addf %add3A_261, %slice3A_262 : vector<256x384xf32>
    %slice3A_264 = vector.extract_strided_slice %mul3A_242 {offsets = [2816, 0], sizes = [256, 384], strides = [1, 1]} : vector<4096x384xf32> to vector<256x384xf32>
    %add3A_265 = arith.addf %add3A_263, %slice3A_264 : vector<256x384xf32>
    %slice3A_266 = vector.extract_strided_slice %mul3A_242 {offsets = [3072, 0], sizes = [256, 384], strides = [1, 1]} : vector<4096x384xf32> to vector<256x384xf32>
    %add3A_267 = arith.addf %add3A_265, %slice3A_266 : vector<256x384xf32>
    %slice3A_268 = vector.extract_strided_slice %mul3A_242 {offsets = [3328, 0], sizes = [256, 384], strides = [1, 1]} : vector<4096x384xf32> to vector<256x384xf32>
    %add3A_269 = arith.addf %add3A_267, %slice3A_268 : vector<256x384xf32>
    %slice3A_270 = vector.extract_strided_slice %mul3A_242 {offsets = [3584, 0], sizes = [256, 384], strides = [1, 1]} : vector<4096x384xf32> to vector<256x384xf32>
    %add3A_271 = arith.addf %add3A_269, %slice3A_270 : vector<256x384xf32>
    %slice3A_272 = vector.extract_strided_slice %mul3A_242 {offsets = [3840, 0], sizes = [256, 384], strides = [1, 1]} : vector<4096x384xf32> to vector<256x384xf32>
    %add3A_273 = arith.addf %add3A_271, %slice3A_272 : vector<256x384xf32>
    %slice3A_274 = vector.extract_strided_slice %select_n3A_35 {offsets = [0, 7], sizes = [4096, 1], strides = [1, 1]} : vector<4096x16xf32> to vector<4096x1xf32>
    %mul3A_275 = vector.broadcast %slice3A_274 : vector<4096x1xf32> to vector<4096x384xf32>
    %mul3A_276 = arith.mulf %reshape3A, %mul3A_275 : vector<4096x384xf32>
    %slice3A_277 = vector.extract_strided_slice %mul3A_276 {offsets = [0, 0], sizes = [256, 384], strides = [1, 1]} : vector<4096x384xf32> to vector<256x384xf32>
    %slice3A_278 = vector.extract_strided_slice %mul3A_276 {offsets = [256, 0], sizes = [256, 384], strides = [1, 1]} : vector<4096x384xf32> to vector<256x384xf32>
    %add3A_279 = arith.addf %slice3A_277, %slice3A_278 : vector<256x384xf32>
    %slice3A_280 = vector.extract_strided_slice %mul3A_276 {offsets = [512, 0], sizes = [256, 384], strides = [1, 1]} : vector<4096x384xf32> to vector<256x384xf32>
    %add3A_281 = arith.addf %add3A_279, %slice3A_280 : vector<256x384xf32>
    %slice3A_282 = vector.extract_strided_slice %mul3A_276 {offsets = [768, 0], sizes = [256, 384], strides = [1, 1]} : vector<4096x384xf32> to vector<256x384xf32>
    %add3A_283 = arith.addf %add3A_281, %slice3A_282 : vector<256x384xf32>
    %slice3A_284 = vector.extract_strided_slice %mul3A_276 {offsets = [1024, 0], sizes = [256, 384], strides = [1, 1]} : vector<4096x384xf32> to vector<256x384xf32>
    %add3A_285 = arith.addf %add3A_283, %slice3A_284 : vector<256x384xf32>
    %slice3A_286 = vector.extract_strided_slice %mul3A_276 {offsets = [1280, 0], sizes = [256, 384], strides = [1, 1]} : vector<4096x384xf32> to vector<256x384xf32>
    %add3A_287 = arith.addf %add3A_285, %slice3A_286 : vector<256x384xf32>
    %slice3A_288 = vector.extract_strided_slice %mul3A_276 {offsets = [1536, 0], sizes = [256, 384], strides = [1, 1]} : vector<4096x384xf32> to vector<256x384xf32>
    %add3A_289 = arith.addf %add3A_287, %slice3A_288 : vector<256x384xf32>
    %slice3A_290 = vector.extract_strided_slice %mul3A_276 {offsets = [1792, 0], sizes = [256, 384], strides = [1, 1]} : vector<4096x384xf32> to vector<256x384xf32>
    %add3A_291 = arith.addf %add3A_289, %slice3A_290 : vector<256x384xf32>
    %slice3A_292 = vector.extract_strided_slice %mul3A_276 {offsets = [2048, 0], sizes = [256, 384], strides = [1, 1]} : vector<4096x384xf32> to vector<256x384xf32>
    %add3A_293 = arith.addf %add3A_291, %slice3A_292 : vector<256x384xf32>
    %slice3A_294 = vector.extract_strided_slice %mul3A_276 {offsets = [2304, 0], sizes = [256, 384], strides = [1, 1]} : vector<4096x384xf32> to vector<256x384xf32>
    %add3A_295 = arith.addf %add3A_293, %slice3A_294 : vector<256x384xf32>
    %slice3A_296 = vector.extract_strided_slice %mul3A_276 {offsets = [2560, 0], sizes = [256, 384], strides = [1, 1]} : vector<4096x384xf32> to vector<256x384xf32>
    %add3A_297 = arith.addf %add3A_295, %slice3A_296 : vector<256x384xf32>
    %slice3A_298 = vector.extract_strided_slice %mul3A_276 {offsets = [2816, 0], sizes = [256, 384], strides = [1, 1]} : vector<4096x384xf32> to vector<256x384xf32>
    %add3A_299 = arith.addf %add3A_297, %slice3A_298 : vector<256x384xf32>
    %slice3A_300 = vector.extract_strided_slice %mul3A_276 {offsets = [3072, 0], sizes = [256, 384], strides = [1, 1]} : vector<4096x384xf32> to vector<256x384xf32>
    %add3A_301 = arith.addf %add3A_299, %slice3A_300 : vector<256x384xf32>
    %slice3A_302 = vector.extract_strided_slice %mul3A_276 {offsets = [3328, 0], sizes = [256, 384], strides = [1, 1]} : vector<4096x384xf32> to vector<256x384xf32>
    %add3A_303 = arith.addf %add3A_301, %slice3A_302 : vector<256x384xf32>
    %slice3A_304 = vector.extract_strided_slice %mul3A_276 {offsets = [3584, 0], sizes = [256, 384], strides = [1, 1]} : vector<4096x384xf32> to vector<256x384xf32>
    %add3A_305 = arith.addf %add3A_303, %slice3A_304 : vector<256x384xf32>
    %slice3A_306 = vector.extract_strided_slice %mul3A_276 {offsets = [3840, 0], sizes = [256, 384], strides = [1, 1]} : vector<4096x384xf32> to vector<256x384xf32>
    %add3A_307 = arith.addf %add3A_305, %slice3A_306 : vector<256x384xf32>
    %slice3A_308 = vector.extract_strided_slice %select_n3A_35 {offsets = [0, 8], sizes = [4096, 1], strides = [1, 1]} : vector<4096x16xf32> to vector<4096x1xf32>
    %mul3A_309 = vector.broadcast %slice3A_308 : vector<4096x1xf32> to vector<4096x384xf32>
    %mul3A_310 = arith.mulf %reshape3A, %mul3A_309 : vector<4096x384xf32>
    %slice3A_311 = vector.extract_strided_slice %mul3A_310 {offsets = [0, 0], sizes = [256, 384], strides = [1, 1]} : vector<4096x384xf32> to vector<256x384xf32>
    %slice3A_312 = vector.extract_strided_slice %mul3A_310 {offsets = [256, 0], sizes = [256, 384], strides = [1, 1]} : vector<4096x384xf32> to vector<256x384xf32>
    %add3A_313 = arith.addf %slice3A_311, %slice3A_312 : vector<256x384xf32>
    %slice3A_314 = vector.extract_strided_slice %mul3A_310 {offsets = [512, 0], sizes = [256, 384], strides = [1, 1]} : vector<4096x384xf32> to vector<256x384xf32>
    %add3A_315 = arith.addf %add3A_313, %slice3A_314 : vector<256x384xf32>
    %slice3A_316 = vector.extract_strided_slice %mul3A_310 {offsets = [768, 0], sizes = [256, 384], strides = [1, 1]} : vector<4096x384xf32> to vector<256x384xf32>
    %add3A_317 = arith.addf %add3A_315, %slice3A_316 : vector<256x384xf32>
    %slice3A_318 = vector.extract_strided_slice %mul3A_310 {offsets = [1024, 0], sizes = [256, 384], strides = [1, 1]} : vector<4096x384xf32> to vector<256x384xf32>
    %add3A_319 = arith.addf %add3A_317, %slice3A_318 : vector<256x384xf32>
    %slice3A_320 = vector.extract_strided_slice %mul3A_310 {offsets = [1280, 0], sizes = [256, 384], strides = [1, 1]} : vector<4096x384xf32> to vector<256x384xf32>
    %add3A_321 = arith.addf %add3A_319, %slice3A_320 : vector<256x384xf32>
    %slice3A_322 = vector.extract_strided_slice %mul3A_310 {offsets = [1536, 0], sizes = [256, 384], strides = [1, 1]} : vector<4096x384xf32> to vector<256x384xf32>
    %add3A_323 = arith.addf %add3A_321, %slice3A_322 : vector<256x384xf32>
    %slice3A_324 = vector.extract_strided_slice %mul3A_310 {offsets = [1792, 0], sizes = [256, 384], strides = [1, 1]} : vector<4096x384xf32> to vector<256x384xf32>
    %add3A_325 = arith.addf %add3A_323, %slice3A_324 : vector<256x384xf32>
    %slice3A_326 = vector.extract_strided_slice %mul3A_310 {offsets = [2048, 0], sizes = [256, 384], strides = [1, 1]} : vector<4096x384xf32> to vector<256x384xf32>
    %add3A_327 = arith.addf %add3A_325, %slice3A_326 : vector<256x384xf32>
    %slice3A_328 = vector.extract_strided_slice %mul3A_310 {offsets = [2304, 0], sizes = [256, 384], strides = [1, 1]} : vector<4096x384xf32> to vector<256x384xf32>
    %add3A_329 = arith.addf %add3A_327, %slice3A_328 : vector<256x384xf32>
    %slice3A_330 = vector.extract_strided_slice %mul3A_310 {offsets = [2560, 0], sizes = [256, 384], strides = [1, 1]} : vector<4096x384xf32> to vector<256x384xf32>
    %add3A_331 = arith.addf %add3A_329, %slice3A_330 : vector<256x384xf32>
    %slice3A_332 = vector.extract_strided_slice %mul3A_310 {offsets = [2816, 0], sizes = [256, 384], strides = [1, 1]} : vector<4096x384xf32> to vector<256x384xf32>
    %add3A_333 = arith.addf %add3A_331, %slice3A_332 : vector<256x384xf32>
    %slice3A_334 = vector.extract_strided_slice %mul3A_310 {offsets = [3072, 0], sizes = [256, 384], strides = [1, 1]} : vector<4096x384xf32> to vector<256x384xf32>
    %add3A_335 = arith.addf %add3A_333, %slice3A_334 : vector<256x384xf32>
    %slice3A_336 = vector.extract_strided_slice %mul3A_310 {offsets = [3328, 0], sizes = [256, 384], strides = [1, 1]} : vector<4096x384xf32> to vector<256x384xf32>
    %add3A_337 = arith.addf %add3A_335, %slice3A_336 : vector<256x384xf32>
    %slice3A_338 = vector.extract_strided_slice %mul3A_310 {offsets = [3584, 0], sizes = [256, 384], strides = [1, 1]} : vector<4096x384xf32> to vector<256x384xf32>
    %add3A_339 = arith.addf %add3A_337, %slice3A_338 : vector<256x384xf32>
    %slice3A_340 = vector.extract_strided_slice %mul3A_310 {offsets = [3840, 0], sizes = [256, 384], strides = [1, 1]} : vector<4096x384xf32> to vector<256x384xf32>
    %add3A_341 = arith.addf %add3A_339, %slice3A_340 : vector<256x384xf32>
    %slice3A_342 = vector.extract_strided_slice %select_n3A_35 {offsets = [0, 9], sizes = [4096, 1], strides = [1, 1]} : vector<4096x16xf32> to vector<4096x1xf32>
    %mul3A_343 = vector.broadcast %slice3A_342 : vector<4096x1xf32> to vector<4096x384xf32>
    %mul3A_344 = arith.mulf %reshape3A, %mul3A_343 : vector<4096x384xf32>
    %slice3A_345 = vector.extract_strided_slice %mul3A_344 {offsets = [0, 0], sizes = [256, 384], strides = [1, 1]} : vector<4096x384xf32> to vector<256x384xf32>
    %slice3A_346 = vector.extract_strided_slice %mul3A_344 {offsets = [256, 0], sizes = [256, 384], strides = [1, 1]} : vector<4096x384xf32> to vector<256x384xf32>
    %add3A_347 = arith.addf %slice3A_345, %slice3A_346 : vector<256x384xf32>
    %slice3A_348 = vector.extract_strided_slice %mul3A_344 {offsets = [512, 0], sizes = [256, 384], strides = [1, 1]} : vector<4096x384xf32> to vector<256x384xf32>
    %add3A_349 = arith.addf %add3A_347, %slice3A_348 : vector<256x384xf32>
    %slice3A_350 = vector.extract_strided_slice %mul3A_344 {offsets = [768, 0], sizes = [256, 384], strides = [1, 1]} : vector<4096x384xf32> to vector<256x384xf32>
    %add3A_351 = arith.addf %add3A_349, %slice3A_350 : vector<256x384xf32>
    %slice3A_352 = vector.extract_strided_slice %mul3A_344 {offsets = [1024, 0], sizes = [256, 384], strides = [1, 1]} : vector<4096x384xf32> to vector<256x384xf32>
    %add3A_353 = arith.addf %add3A_351, %slice3A_352 : vector<256x384xf32>
    %slice3A_354 = vector.extract_strided_slice %mul3A_344 {offsets = [1280, 0], sizes = [256, 384], strides = [1, 1]} : vector<4096x384xf32> to vector<256x384xf32>
    %add3A_355 = arith.addf %add3A_353, %slice3A_354 : vector<256x384xf32>
    %slice3A_356 = vector.extract_strided_slice %mul3A_344 {offsets = [1536, 0], sizes = [256, 384], strides = [1, 1]} : vector<4096x384xf32> to vector<256x384xf32>
    %add3A_357 = arith.addf %add3A_355, %slice3A_356 : vector<256x384xf32>
    %slice3A_358 = vector.extract_strided_slice %mul3A_344 {offsets = [1792, 0], sizes = [256, 384], strides = [1, 1]} : vector<4096x384xf32> to vector<256x384xf32>
    %add3A_359 = arith.addf %add3A_357, %slice3A_358 : vector<256x384xf32>
    %slice3A_360 = vector.extract_strided_slice %mul3A_344 {offsets = [2048, 0], sizes = [256, 384], strides = [1, 1]} : vector<4096x384xf32> to vector<256x384xf32>
    %add3A_361 = arith.addf %add3A_359, %slice3A_360 : vector<256x384xf32>
    %slice3A_362 = vector.extract_strided_slice %mul3A_344 {offsets = [2304, 0], sizes = [256, 384], strides = [1, 1]} : vector<4096x384xf32> to vector<256x384xf32>
    %add3A_363 = arith.addf %add3A_361, %slice3A_362 : vector<256x384xf32>
    %slice3A_364 = vector.extract_strided_slice %mul3A_344 {offsets = [2560, 0], sizes = [256, 384], strides = [1, 1]} : vector<4096x384xf32> to vector<256x384xf32>
    %add3A_365 = arith.addf %add3A_363, %slice3A_364 : vector<256x384xf32>
    %slice3A_366 = vector.extract_strided_slice %mul3A_344 {offsets = [2816, 0], sizes = [256, 384], strides = [1, 1]} : vector<4096x384xf32> to vector<256x384xf32>
    %add3A_367 = arith.addf %add3A_365, %slice3A_366 : vector<256x384xf32>
    %slice3A_368 = vector.extract_strided_slice %mul3A_344 {offsets = [3072, 0], sizes = [256, 384], strides = [1, 1]} : vector<4096x384xf32> to vector<256x384xf32>
    %add3A_369 = arith.addf %add3A_367, %slice3A_368 : vector<256x384xf32>
    %slice3A_370 = vector.extract_strided_slice %mul3A_344 {offsets = [3328, 0], sizes = [256, 384], strides = [1, 1]} : vector<4096x384xf32> to vector<256x384xf32>
    %add3A_371 = arith.addf %add3A_369, %slice3A_370 : vector<256x384xf32>
    %slice3A_372 = vector.extract_strided_slice %mul3A_344 {offsets = [3584, 0], sizes = [256, 384], strides = [1, 1]} : vector<4096x384xf32> to vector<256x384xf32>
    %add3A_373 = arith.addf %add3A_371, %slice3A_372 : vector<256x384xf32>
    %slice3A_374 = vector.extract_strided_slice %mul3A_344 {offsets = [3840, 0], sizes = [256, 384], strides = [1, 1]} : vector<4096x384xf32> to vector<256x384xf32>
    %add3A_375 = arith.addf %add3A_373, %slice3A_374 : vector<256x384xf32>
    %slice3A_376 = vector.extract_strided_slice %select_n3A_35 {offsets = [0, 10], sizes = [4096, 1], strides = [1, 1]} : vector<4096x16xf32> to vector<4096x1xf32>
    %mul3A_377 = vector.broadcast %slice3A_376 : vector<4096x1xf32> to vector<4096x384xf32>
    %mul3A_378 = arith.mulf %reshape3A, %mul3A_377 : vector<4096x384xf32>
    %slice3A_379 = vector.extract_strided_slice %mul3A_378 {offsets = [0, 0], sizes = [256, 384], strides = [1, 1]} : vector<4096x384xf32> to vector<256x384xf32>
    %slice3A_380 = vector.extract_strided_slice %mul3A_378 {offsets = [256, 0], sizes = [256, 384], strides = [1, 1]} : vector<4096x384xf32> to vector<256x384xf32>
    %add3A_381 = arith.addf %slice3A_379, %slice3A_380 : vector<256x384xf32>
    %slice3A_382 = vector.extract_strided_slice %mul3A_378 {offsets = [512, 0], sizes = [256, 384], strides = [1, 1]} : vector<4096x384xf32> to vector<256x384xf32>
    %add3A_383 = arith.addf %add3A_381, %slice3A_382 : vector<256x384xf32>
    %slice3A_384 = vector.extract_strided_slice %mul3A_378 {offsets = [768, 0], sizes = [256, 384], strides = [1, 1]} : vector<4096x384xf32> to vector<256x384xf32>
    %add3A_385 = arith.addf %add3A_383, %slice3A_384 : vector<256x384xf32>
    %slice3A_386 = vector.extract_strided_slice %mul3A_378 {offsets = [1024, 0], sizes = [256, 384], strides = [1, 1]} : vector<4096x384xf32> to vector<256x384xf32>
    %add3A_387 = arith.addf %add3A_385, %slice3A_386 : vector<256x384xf32>
    %slice3A_388 = vector.extract_strided_slice %mul3A_378 {offsets = [1280, 0], sizes = [256, 384], strides = [1, 1]} : vector<4096x384xf32> to vector<256x384xf32>
    %add3A_389 = arith.addf %add3A_387, %slice3A_388 : vector<256x384xf32>
    %slice3A_390 = vector.extract_strided_slice %mul3A_378 {offsets = [1536, 0], sizes = [256, 384], strides = [1, 1]} : vector<4096x384xf32> to vector<256x384xf32>
    %add3A_391 = arith.addf %add3A_389, %slice3A_390 : vector<256x384xf32>
    %slice3A_392 = vector.extract_strided_slice %mul3A_378 {offsets = [1792, 0], sizes = [256, 384], strides = [1, 1]} : vector<4096x384xf32> to vector<256x384xf32>
    %add3A_393 = arith.addf %add3A_391, %slice3A_392 : vector<256x384xf32>
    %slice3A_394 = vector.extract_strided_slice %mul3A_378 {offsets = [2048, 0], sizes = [256, 384], strides = [1, 1]} : vector<4096x384xf32> to vector<256x384xf32>
    %add3A_395 = arith.addf %add3A_393, %slice3A_394 : vector<256x384xf32>
    %slice3A_396 = vector.extract_strided_slice %mul3A_378 {offsets = [2304, 0], sizes = [256, 384], strides = [1, 1]} : vector<4096x384xf32> to vector<256x384xf32>
    %add3A_397 = arith.addf %add3A_395, %slice3A_396 : vector<256x384xf32>
    %slice3A_398 = vector.extract_strided_slice %mul3A_378 {offsets = [2560, 0], sizes = [256, 384], strides = [1, 1]} : vector<4096x384xf32> to vector<256x384xf32>
    %add3A_399 = arith.addf %add3A_397, %slice3A_398 : vector<256x384xf32>
    %slice3A_400 = vector.extract_strided_slice %mul3A_378 {offsets = [2816, 0], sizes = [256, 384], strides = [1, 1]} : vector<4096x384xf32> to vector<256x384xf32>
    %add3A_401 = arith.addf %add3A_399, %slice3A_400 : vector<256x384xf32>
    %slice3A_402 = vector.extract_strided_slice %mul3A_378 {offsets = [3072, 0], sizes = [256, 384], strides = [1, 1]} : vector<4096x384xf32> to vector<256x384xf32>
    %add3A_403 = arith.addf %add3A_401, %slice3A_402 : vector<256x384xf32>
    %slice3A_404 = vector.extract_strided_slice %mul3A_378 {offsets = [3328, 0], sizes = [256, 384], strides = [1, 1]} : vector<4096x384xf32> to vector<256x384xf32>
    %add3A_405 = arith.addf %add3A_403, %slice3A_404 : vector<256x384xf32>
    %slice3A_406 = vector.extract_strided_slice %mul3A_378 {offsets = [3584, 0], sizes = [256, 384], strides = [1, 1]} : vector<4096x384xf32> to vector<256x384xf32>
    %add3A_407 = arith.addf %add3A_405, %slice3A_406 : vector<256x384xf32>
    %slice3A_408 = vector.extract_strided_slice %mul3A_378 {offsets = [3840, 0], sizes = [256, 384], strides = [1, 1]} : vector<4096x384xf32> to vector<256x384xf32>
    %add3A_409 = arith.addf %add3A_407, %slice3A_408 : vector<256x384xf32>
    %slice3A_410 = vector.extract_strided_slice %select_n3A_35 {offsets = [0, 11], sizes = [4096, 1], strides = [1, 1]} : vector<4096x16xf32> to vector<4096x1xf32>
    %mul3A_411 = vector.broadcast %slice3A_410 : vector<4096x1xf32> to vector<4096x384xf32>
    %mul3A_412 = arith.mulf %reshape3A, %mul3A_411 : vector<4096x384xf32>
    %slice3A_413 = vector.extract_strided_slice %mul3A_412 {offsets = [0, 0], sizes = [256, 384], strides = [1, 1]} : vector<4096x384xf32> to vector<256x384xf32>
    %slice3A_414 = vector.extract_strided_slice %mul3A_412 {offsets = [256, 0], sizes = [256, 384], strides = [1, 1]} : vector<4096x384xf32> to vector<256x384xf32>
    %add3A_415 = arith.addf %slice3A_413, %slice3A_414 : vector<256x384xf32>
    %slice3A_416 = vector.extract_strided_slice %mul3A_412 {offsets = [512, 0], sizes = [256, 384], strides = [1, 1]} : vector<4096x384xf32> to vector<256x384xf32>
    %add3A_417 = arith.addf %add3A_415, %slice3A_416 : vector<256x384xf32>
    %slice3A_418 = vector.extract_strided_slice %mul3A_412 {offsets = [768, 0], sizes = [256, 384], strides = [1, 1]} : vector<4096x384xf32> to vector<256x384xf32>
    %add3A_419 = arith.addf %add3A_417, %slice3A_418 : vector<256x384xf32>
    %slice3A_420 = vector.extract_strided_slice %mul3A_412 {offsets = [1024, 0], sizes = [256, 384], strides = [1, 1]} : vector<4096x384xf32> to vector<256x384xf32>
    %add3A_421 = arith.addf %add3A_419, %slice3A_420 : vector<256x384xf32>
    %slice3A_422 = vector.extract_strided_slice %mul3A_412 {offsets = [1280, 0], sizes = [256, 384], strides = [1, 1]} : vector<4096x384xf32> to vector<256x384xf32>
    %add3A_423 = arith.addf %add3A_421, %slice3A_422 : vector<256x384xf32>
    %slice3A_424 = vector.extract_strided_slice %mul3A_412 {offsets = [1536, 0], sizes = [256, 384], strides = [1, 1]} : vector<4096x384xf32> to vector<256x384xf32>
    %add3A_425 = arith.addf %add3A_423, %slice3A_424 : vector<256x384xf32>
    %slice3A_426 = vector.extract_strided_slice %mul3A_412 {offsets = [1792, 0], sizes = [256, 384], strides = [1, 1]} : vector<4096x384xf32> to vector<256x384xf32>
    %add3A_427 = arith.addf %add3A_425, %slice3A_426 : vector<256x384xf32>
    %slice3A_428 = vector.extract_strided_slice %mul3A_412 {offsets = [2048, 0], sizes = [256, 384], strides = [1, 1]} : vector<4096x384xf32> to vector<256x384xf32>
    %add3A_429 = arith.addf %add3A_427, %slice3A_428 : vector<256x384xf32>
    %slice3A_430 = vector.extract_strided_slice %mul3A_412 {offsets = [2304, 0], sizes = [256, 384], strides = [1, 1]} : vector<4096x384xf32> to vector<256x384xf32>
    %add3A_431 = arith.addf %add3A_429, %slice3A_430 : vector<256x384xf32>
    %slice3A_432 = vector.extract_strided_slice %mul3A_412 {offsets = [2560, 0], sizes = [256, 384], strides = [1, 1]} : vector<4096x384xf32> to vector<256x384xf32>
    %add3A_433 = arith.addf %add3A_431, %slice3A_432 : vector<256x384xf32>
    %slice3A_434 = vector.extract_strided_slice %mul3A_412 {offsets = [2816, 0], sizes = [256, 384], strides = [1, 1]} : vector<4096x384xf32> to vector<256x384xf32>
    %add3A_435 = arith.addf %add3A_433, %slice3A_434 : vector<256x384xf32>
    %slice3A_436 = vector.extract_strided_slice %mul3A_412 {offsets = [3072, 0], sizes = [256, 384], strides = [1, 1]} : vector<4096x384xf32> to vector<256x384xf32>
    %add3A_437 = arith.addf %add3A_435, %slice3A_436 : vector<256x384xf32>
    %slice3A_438 = vector.extract_strided_slice %mul3A_412 {offsets = [3328, 0], sizes = [256, 384], strides = [1, 1]} : vector<4096x384xf32> to vector<256x384xf32>
    %add3A_439 = arith.addf %add3A_437, %slice3A_438 : vector<256x384xf32>
    %slice3A_440 = vector.extract_strided_slice %mul3A_412 {offsets = [3584, 0], sizes = [256, 384], strides = [1, 1]} : vector<4096x384xf32> to vector<256x384xf32>
    %add3A_441 = arith.addf %add3A_439, %slice3A_440 : vector<256x384xf32>
    %slice3A_442 = vector.extract_strided_slice %mul3A_412 {offsets = [3840, 0], sizes = [256, 384], strides = [1, 1]} : vector<4096x384xf32> to vector<256x384xf32>
    %add3A_443 = arith.addf %add3A_441, %slice3A_442 : vector<256x384xf32>
    %slice3A_444 = vector.extract_strided_slice %select_n3A_35 {offsets = [0, 12], sizes = [4096, 1], strides = [1, 1]} : vector<4096x16xf32> to vector<4096x1xf32>
    %mul3A_445 = vector.broadcast %slice3A_444 : vector<4096x1xf32> to vector<4096x384xf32>
    %mul3A_446 = arith.mulf %reshape3A, %mul3A_445 : vector<4096x384xf32>
    %slice3A_447 = vector.extract_strided_slice %mul3A_446 {offsets = [0, 0], sizes = [256, 384], strides = [1, 1]} : vector<4096x384xf32> to vector<256x384xf32>
    %slice3A_448 = vector.extract_strided_slice %mul3A_446 {offsets = [256, 0], sizes = [256, 384], strides = [1, 1]} : vector<4096x384xf32> to vector<256x384xf32>
    %add3A_449 = arith.addf %slice3A_447, %slice3A_448 : vector<256x384xf32>
    %slice3A_450 = vector.extract_strided_slice %mul3A_446 {offsets = [512, 0], sizes = [256, 384], strides = [1, 1]} : vector<4096x384xf32> to vector<256x384xf32>
    %add3A_451 = arith.addf %add3A_449, %slice3A_450 : vector<256x384xf32>
    %slice3A_452 = vector.extract_strided_slice %mul3A_446 {offsets = [768, 0], sizes = [256, 384], strides = [1, 1]} : vector<4096x384xf32> to vector<256x384xf32>
    %add3A_453 = arith.addf %add3A_451, %slice3A_452 : vector<256x384xf32>
    %slice3A_454 = vector.extract_strided_slice %mul3A_446 {offsets = [1024, 0], sizes = [256, 384], strides = [1, 1]} : vector<4096x384xf32> to vector<256x384xf32>
    %add3A_455 = arith.addf %add3A_453, %slice3A_454 : vector<256x384xf32>
    %slice3A_456 = vector.extract_strided_slice %mul3A_446 {offsets = [1280, 0], sizes = [256, 384], strides = [1, 1]} : vector<4096x384xf32> to vector<256x384xf32>
    %add3A_457 = arith.addf %add3A_455, %slice3A_456 : vector<256x384xf32>
    %slice3A_458 = vector.extract_strided_slice %mul3A_446 {offsets = [1536, 0], sizes = [256, 384], strides = [1, 1]} : vector<4096x384xf32> to vector<256x384xf32>
    %add3A_459 = arith.addf %add3A_457, %slice3A_458 : vector<256x384xf32>
    %slice3A_460 = vector.extract_strided_slice %mul3A_446 {offsets = [1792, 0], sizes = [256, 384], strides = [1, 1]} : vector<4096x384xf32> to vector<256x384xf32>
    %add3A_461 = arith.addf %add3A_459, %slice3A_460 : vector<256x384xf32>
    %slice3A_462 = vector.extract_strided_slice %mul3A_446 {offsets = [2048, 0], sizes = [256, 384], strides = [1, 1]} : vector<4096x384xf32> to vector<256x384xf32>
    %add3A_463 = arith.addf %add3A_461, %slice3A_462 : vector<256x384xf32>
    %slice3A_464 = vector.extract_strided_slice %mul3A_446 {offsets = [2304, 0], sizes = [256, 384], strides = [1, 1]} : vector<4096x384xf32> to vector<256x384xf32>
    %add3A_465 = arith.addf %add3A_463, %slice3A_464 : vector<256x384xf32>
    %slice3A_466 = vector.extract_strided_slice %mul3A_446 {offsets = [2560, 0], sizes = [256, 384], strides = [1, 1]} : vector<4096x384xf32> to vector<256x384xf32>
    %add3A_467 = arith.addf %add3A_465, %slice3A_466 : vector<256x384xf32>
    %slice3A_468 = vector.extract_strided_slice %mul3A_446 {offsets = [2816, 0], sizes = [256, 384], strides = [1, 1]} : vector<4096x384xf32> to vector<256x384xf32>
    %add3A_469 = arith.addf %add3A_467, %slice3A_468 : vector<256x384xf32>
    %slice3A_470 = vector.extract_strided_slice %mul3A_446 {offsets = [3072, 0], sizes = [256, 384], strides = [1, 1]} : vector<4096x384xf32> to vector<256x384xf32>
    %add3A_471 = arith.addf %add3A_469, %slice3A_470 : vector<256x384xf32>
    %slice3A_472 = vector.extract_strided_slice %mul3A_446 {offsets = [3328, 0], sizes = [256, 384], strides = [1, 1]} : vector<4096x384xf32> to vector<256x384xf32>
    %add3A_473 = arith.addf %add3A_471, %slice3A_472 : vector<256x384xf32>
    %slice3A_474 = vector.extract_strided_slice %mul3A_446 {offsets = [3584, 0], sizes = [256, 384], strides = [1, 1]} : vector<4096x384xf32> to vector<256x384xf32>
    %add3A_475 = arith.addf %add3A_473, %slice3A_474 : vector<256x384xf32>
    %slice3A_476 = vector.extract_strided_slice %mul3A_446 {offsets = [3840, 0], sizes = [256, 384], strides = [1, 1]} : vector<4096x384xf32> to vector<256x384xf32>
    %add3A_477 = arith.addf %add3A_475, %slice3A_476 : vector<256x384xf32>
    %slice3A_478 = vector.extract_strided_slice %select_n3A_35 {offsets = [0, 13], sizes = [4096, 1], strides = [1, 1]} : vector<4096x16xf32> to vector<4096x1xf32>
    %mul3A_479 = vector.broadcast %slice3A_478 : vector<4096x1xf32> to vector<4096x384xf32>
    %mul3A_480 = arith.mulf %reshape3A, %mul3A_479 : vector<4096x384xf32>
    %slice3A_481 = vector.extract_strided_slice %mul3A_480 {offsets = [0, 0], sizes = [256, 384], strides = [1, 1]} : vector<4096x384xf32> to vector<256x384xf32>
    %slice3A_482 = vector.extract_strided_slice %mul3A_480 {offsets = [256, 0], sizes = [256, 384], strides = [1, 1]} : vector<4096x384xf32> to vector<256x384xf32>
    %add3A_483 = arith.addf %slice3A_481, %slice3A_482 : vector<256x384xf32>
    %slice3A_484 = vector.extract_strided_slice %mul3A_480 {offsets = [512, 0], sizes = [256, 384], strides = [1, 1]} : vector<4096x384xf32> to vector<256x384xf32>
    %add3A_485 = arith.addf %add3A_483, %slice3A_484 : vector<256x384xf32>
    %slice3A_486 = vector.extract_strided_slice %mul3A_480 {offsets = [768, 0], sizes = [256, 384], strides = [1, 1]} : vector<4096x384xf32> to vector<256x384xf32>
    %add3A_487 = arith.addf %add3A_485, %slice3A_486 : vector<256x384xf32>
    %slice3A_488 = vector.extract_strided_slice %mul3A_480 {offsets = [1024, 0], sizes = [256, 384], strides = [1, 1]} : vector<4096x384xf32> to vector<256x384xf32>
    %add3A_489 = arith.addf %add3A_487, %slice3A_488 : vector<256x384xf32>
    %slice3A_490 = vector.extract_strided_slice %mul3A_480 {offsets = [1280, 0], sizes = [256, 384], strides = [1, 1]} : vector<4096x384xf32> to vector<256x384xf32>
    %add3A_491 = arith.addf %add3A_489, %slice3A_490 : vector<256x384xf32>
    %slice3A_492 = vector.extract_strided_slice %mul3A_480 {offsets = [1536, 0], sizes = [256, 384], strides = [1, 1]} : vector<4096x384xf32> to vector<256x384xf32>
    %add3A_493 = arith.addf %add3A_491, %slice3A_492 : vector<256x384xf32>
    %slice3A_494 = vector.extract_strided_slice %mul3A_480 {offsets = [1792, 0], sizes = [256, 384], strides = [1, 1]} : vector<4096x384xf32> to vector<256x384xf32>
    %add3A_495 = arith.addf %add3A_493, %slice3A_494 : vector<256x384xf32>
    %slice3A_496 = vector.extract_strided_slice %mul3A_480 {offsets = [2048, 0], sizes = [256, 384], strides = [1, 1]} : vector<4096x384xf32> to vector<256x384xf32>
    %add3A_497 = arith.addf %add3A_495, %slice3A_496 : vector<256x384xf32>
    %slice3A_498 = vector.extract_strided_slice %mul3A_480 {offsets = [2304, 0], sizes = [256, 384], strides = [1, 1]} : vector<4096x384xf32> to vector<256x384xf32>
    %add3A_499 = arith.addf %add3A_497, %slice3A_498 : vector<256x384xf32>
    %slice3A_500 = vector.extract_strided_slice %mul3A_480 {offsets = [2560, 0], sizes = [256, 384], strides = [1, 1]} : vector<4096x384xf32> to vector<256x384xf32>
    %add3A_501 = arith.addf %add3A_499, %slice3A_500 : vector<256x384xf32>
    %slice3A_502 = vector.extract_strided_slice %mul3A_480 {offsets = [2816, 0], sizes = [256, 384], strides = [1, 1]} : vector<4096x384xf32> to vector<256x384xf32>
    %add3A_503 = arith.addf %add3A_501, %slice3A_502 : vector<256x384xf32>
    %slice3A_504 = vector.extract_strided_slice %mul3A_480 {offsets = [3072, 0], sizes = [256, 384], strides = [1, 1]} : vector<4096x384xf32> to vector<256x384xf32>
    %add3A_505 = arith.addf %add3A_503, %slice3A_504 : vector<256x384xf32>
    %slice3A_506 = vector.extract_strided_slice %mul3A_480 {offsets = [3328, 0], sizes = [256, 384], strides = [1, 1]} : vector<4096x384xf32> to vector<256x384xf32>
    %add3A_507 = arith.addf %add3A_505, %slice3A_506 : vector<256x384xf32>
    %slice3A_508 = vector.extract_strided_slice %mul3A_480 {offsets = [3584, 0], sizes = [256, 384], strides = [1, 1]} : vector<4096x384xf32> to vector<256x384xf32>
    %add3A_509 = arith.addf %add3A_507, %slice3A_508 : vector<256x384xf32>
    %slice3A_510 = vector.extract_strided_slice %mul3A_480 {offsets = [3840, 0], sizes = [256, 384], strides = [1, 1]} : vector<4096x384xf32> to vector<256x384xf32>
    %add3A_511 = arith.addf %add3A_509, %slice3A_510 : vector<256x384xf32>
    %slice3A_512 = vector.extract_strided_slice %select_n3A_35 {offsets = [0, 14], sizes = [4096, 1], strides = [1, 1]} : vector<4096x16xf32> to vector<4096x1xf32>
    %mul3A_513 = vector.broadcast %slice3A_512 : vector<4096x1xf32> to vector<4096x384xf32>
    %mul3A_514 = arith.mulf %reshape3A, %mul3A_513 : vector<4096x384xf32>
    %slice3A_515 = vector.extract_strided_slice %mul3A_514 {offsets = [0, 0], sizes = [256, 384], strides = [1, 1]} : vector<4096x384xf32> to vector<256x384xf32>
    %slice3A_516 = vector.extract_strided_slice %mul3A_514 {offsets = [256, 0], sizes = [256, 384], strides = [1, 1]} : vector<4096x384xf32> to vector<256x384xf32>
    %add3A_517 = arith.addf %slice3A_515, %slice3A_516 : vector<256x384xf32>
    %slice3A_518 = vector.extract_strided_slice %mul3A_514 {offsets = [512, 0], sizes = [256, 384], strides = [1, 1]} : vector<4096x384xf32> to vector<256x384xf32>
    %add3A_519 = arith.addf %add3A_517, %slice3A_518 : vector<256x384xf32>
    %slice3A_520 = vector.extract_strided_slice %mul3A_514 {offsets = [768, 0], sizes = [256, 384], strides = [1, 1]} : vector<4096x384xf32> to vector<256x384xf32>
    %add3A_521 = arith.addf %add3A_519, %slice3A_520 : vector<256x384xf32>
    %slice3A_522 = vector.extract_strided_slice %mul3A_514 {offsets = [1024, 0], sizes = [256, 384], strides = [1, 1]} : vector<4096x384xf32> to vector<256x384xf32>
    %add3A_523 = arith.addf %add3A_521, %slice3A_522 : vector<256x384xf32>
    %slice3A_524 = vector.extract_strided_slice %mul3A_514 {offsets = [1280, 0], sizes = [256, 384], strides = [1, 1]} : vector<4096x384xf32> to vector<256x384xf32>
    %add3A_525 = arith.addf %add3A_523, %slice3A_524 : vector<256x384xf32>
    %slice3A_526 = vector.extract_strided_slice %mul3A_514 {offsets = [1536, 0], sizes = [256, 384], strides = [1, 1]} : vector<4096x384xf32> to vector<256x384xf32>
    %add3A_527 = arith.addf %add3A_525, %slice3A_526 : vector<256x384xf32>
    %slice3A_528 = vector.extract_strided_slice %mul3A_514 {offsets = [1792, 0], sizes = [256, 384], strides = [1, 1]} : vector<4096x384xf32> to vector<256x384xf32>
    %add3A_529 = arith.addf %add3A_527, %slice3A_528 : vector<256x384xf32>
    %slice3A_530 = vector.extract_strided_slice %mul3A_514 {offsets = [2048, 0], sizes = [256, 384], strides = [1, 1]} : vector<4096x384xf32> to vector<256x384xf32>
    %add3A_531 = arith.addf %add3A_529, %slice3A_530 : vector<256x384xf32>
    %slice3A_532 = vector.extract_strided_slice %mul3A_514 {offsets = [2304, 0], sizes = [256, 384], strides = [1, 1]} : vector<4096x384xf32> to vector<256x384xf32>
    %add3A_533 = arith.addf %add3A_531, %slice3A_532 : vector<256x384xf32>
    %slice3A_534 = vector.extract_strided_slice %mul3A_514 {offsets = [2560, 0], sizes = [256, 384], strides = [1, 1]} : vector<4096x384xf32> to vector<256x384xf32>
    %add3A_535 = arith.addf %add3A_533, %slice3A_534 : vector<256x384xf32>
    %slice3A_536 = vector.extract_strided_slice %mul3A_514 {offsets = [2816, 0], sizes = [256, 384], strides = [1, 1]} : vector<4096x384xf32> to vector<256x384xf32>
    %add3A_537 = arith.addf %add3A_535, %slice3A_536 : vector<256x384xf32>
    %slice3A_538 = vector.extract_strided_slice %mul3A_514 {offsets = [3072, 0], sizes = [256, 384], strides = [1, 1]} : vector<4096x384xf32> to vector<256x384xf32>
    %add3A_539 = arith.addf %add3A_537, %slice3A_538 : vector<256x384xf32>
    %slice3A_540 = vector.extract_strided_slice %mul3A_514 {offsets = [3328, 0], sizes = [256, 384], strides = [1, 1]} : vector<4096x384xf32> to vector<256x384xf32>
    %add3A_541 = arith.addf %add3A_539, %slice3A_540 : vector<256x384xf32>
    %slice3A_542 = vector.extract_strided_slice %mul3A_514 {offsets = [3584, 0], sizes = [256, 384], strides = [1, 1]} : vector<4096x384xf32> to vector<256x384xf32>
    %add3A_543 = arith.addf %add3A_541, %slice3A_542 : vector<256x384xf32>
    %slice3A_544 = vector.extract_strided_slice %mul3A_514 {offsets = [3840, 0], sizes = [256, 384], strides = [1, 1]} : vector<4096x384xf32> to vector<256x384xf32>
    %add3A_545 = arith.addf %add3A_543, %slice3A_544 : vector<256x384xf32>
    %slice3A_546 = vector.extract_strided_slice %select_n3A_35 {offsets = [0, 15], sizes = [4096, 1], strides = [1, 1]} : vector<4096x16xf32> to vector<4096x1xf32>
    %mul3A_547 = vector.broadcast %slice3A_546 : vector<4096x1xf32> to vector<4096x384xf32>
    %mul3A_548 = arith.mulf %reshape3A, %mul3A_547 : vector<4096x384xf32>
    %slice3A_549 = vector.extract_strided_slice %mul3A_548 {offsets = [0, 0], sizes = [256, 384], strides = [1, 1]} : vector<4096x384xf32> to vector<256x384xf32>
    %slice3A_550 = vector.extract_strided_slice %mul3A_548 {offsets = [256, 0], sizes = [256, 384], strides = [1, 1]} : vector<4096x384xf32> to vector<256x384xf32>
    %add3A_551 = arith.addf %slice3A_549, %slice3A_550 : vector<256x384xf32>
    %slice3A_552 = vector.extract_strided_slice %mul3A_548 {offsets = [512, 0], sizes = [256, 384], strides = [1, 1]} : vector<4096x384xf32> to vector<256x384xf32>
    %add3A_553 = arith.addf %add3A_551, %slice3A_552 : vector<256x384xf32>
    %slice3A_554 = vector.extract_strided_slice %mul3A_548 {offsets = [768, 0], sizes = [256, 384], strides = [1, 1]} : vector<4096x384xf32> to vector<256x384xf32>
    %add3A_555 = arith.addf %add3A_553, %slice3A_554 : vector<256x384xf32>
    %slice3A_556 = vector.extract_strided_slice %mul3A_548 {offsets = [1024, 0], sizes = [256, 384], strides = [1, 1]} : vector<4096x384xf32> to vector<256x384xf32>
    %add3A_557 = arith.addf %add3A_555, %slice3A_556 : vector<256x384xf32>
    %slice3A_558 = vector.extract_strided_slice %mul3A_548 {offsets = [1280, 0], sizes = [256, 384], strides = [1, 1]} : vector<4096x384xf32> to vector<256x384xf32>
    %add3A_559 = arith.addf %add3A_557, %slice3A_558 : vector<256x384xf32>
    %slice3A_560 = vector.extract_strided_slice %mul3A_548 {offsets = [1536, 0], sizes = [256, 384], strides = [1, 1]} : vector<4096x384xf32> to vector<256x384xf32>
    %add3A_561 = arith.addf %add3A_559, %slice3A_560 : vector<256x384xf32>
    %slice3A_562 = vector.extract_strided_slice %mul3A_548 {offsets = [1792, 0], sizes = [256, 384], strides = [1, 1]} : vector<4096x384xf32> to vector<256x384xf32>
    %add3A_563 = arith.addf %add3A_561, %slice3A_562 : vector<256x384xf32>
    %slice3A_564 = vector.extract_strided_slice %mul3A_548 {offsets = [2048, 0], sizes = [256, 384], strides = [1, 1]} : vector<4096x384xf32> to vector<256x384xf32>
    %add3A_565 = arith.addf %add3A_563, %slice3A_564 : vector<256x384xf32>
    %slice3A_566 = vector.extract_strided_slice %mul3A_548 {offsets = [2304, 0], sizes = [256, 384], strides = [1, 1]} : vector<4096x384xf32> to vector<256x384xf32>
    %add3A_567 = arith.addf %add3A_565, %slice3A_566 : vector<256x384xf32>
    %slice3A_568 = vector.extract_strided_slice %mul3A_548 {offsets = [2560, 0], sizes = [256, 384], strides = [1, 1]} : vector<4096x384xf32> to vector<256x384xf32>
    %add3A_569 = arith.addf %add3A_567, %slice3A_568 : vector<256x384xf32>
    %slice3A_570 = vector.extract_strided_slice %mul3A_548 {offsets = [2816, 0], sizes = [256, 384], strides = [1, 1]} : vector<4096x384xf32> to vector<256x384xf32>
    %add3A_571 = arith.addf %add3A_569, %slice3A_570 : vector<256x384xf32>
    %slice3A_572 = vector.extract_strided_slice %mul3A_548 {offsets = [3072, 0], sizes = [256, 384], strides = [1, 1]} : vector<4096x384xf32> to vector<256x384xf32>
    %add3A_573 = arith.addf %add3A_571, %slice3A_572 : vector<256x384xf32>
    %slice3A_574 = vector.extract_strided_slice %mul3A_548 {offsets = [3328, 0], sizes = [256, 384], strides = [1, 1]} : vector<4096x384xf32> to vector<256x384xf32>
    %add3A_575 = arith.addf %add3A_573, %slice3A_574 : vector<256x384xf32>
    %slice3A_576 = vector.extract_strided_slice %mul3A_548 {offsets = [3584, 0], sizes = [256, 384], strides = [1, 1]} : vector<4096x384xf32> to vector<256x384xf32>
    %add3A_577 = arith.addf %add3A_575, %slice3A_576 : vector<256x384xf32>
    %slice3A_578 = vector.extract_strided_slice %mul3A_548 {offsets = [3840, 0], sizes = [256, 384], strides = [1, 1]} : vector<4096x384xf32> to vector<256x384xf32>
    %add3A_579 = arith.addf %add3A_577, %slice3A_578 : vector<256x384xf32>
    %concatenate3A = tpu.concatenate %add3A_69, %add3A_103, %add3A_137, %add3A_171, %add3A_205, %add3A_239, %add3A_273, %add3A_307, %add3A_341, %add3A_375, %add3A_409, %add3A_443, %add3A_477, %add3A_511, %add3A_545, %add3A_579 in 1 : vector<256x384xf32>, vector<256x384xf32>, vector<256x384xf32>, vector<256x384xf32>, vector<256x384xf32>, vector<256x384xf32>, vector<256x384xf32>, vector<256x384xf32>, vector<256x384xf32>, vector<256x384xf32>, vector<256x384xf32>, vector<256x384xf32>, vector<256x384xf32>, vector<256x384xf32>, vector<256x384xf32>, vector<256x384xf32> -> vector<256x6144xf32>
    %convert_element_type3A = arith.truncf %concatenate3A : vector<256x6144xf32> to vector<256x6144xbf16>
    %get3A_580 = arith.constant 0 : index
    %get3A_581 = arith.constant 0 : index
    %get3A_582 = vector.load %arg7[%get3A_580, %get3A_581] : memref<6144x512xbf16, #tpu.memory_space<vmem>>, vector<6144x512xbf16>
    %dot_general3A_583 = arith.constant dense<0.000000e+00> : vector<256x512xf32>
    %dot_general3A_584 = tpu.matmul %convert_element_type3A, %get3A_582, %dot_general3A_583 {dimension_numbers = #tpu.dot_dimension_numbers<[1], [0], [0], [1], [0, 0, 1, 1], [], []>, transpose_lhs_hint = false} : vector<256x6144xbf16>, vector<6144x512xbf16>, vector<256x512xf32> -> vector<256x512xf32>
    %get3A_585 = arith.constant 0 : index
    %get3A_586 = arith.constant 0 : index
    %get3A_587 = vector.load %arg8[%get3A_585, %get3A_586] : memref<1x512xf32, #tpu.memory_space<vmem>>, vector<1x512xf32>
    %add3A_588 = vector.broadcast %get3A_587 : vector<1x512xf32> to vector<256x512xf32>
    %add3A_589 = arith.addf %dot_general3A_584, %add3A_588 : vector<256x512xf32>
    %jit3A_590 = arith.constant 1.000000e-01 : f32
    %ge3A_591 = arith.constant 0.000000e+00 : f32
    %ge3A_592 = vector.broadcast %ge3A_591 : f32 to vector<256x512xf32>
    %ge3A_593 = arith.cmpf oge, %add3A_589, %ge3A_592 : vector<256x512xf32>
    %mul3A_594 = vector.broadcast %jit3A_590 : f32 to vector<256x512xf32>
    %mul3A_595 = arith.mulf %mul3A_594, %add3A_589 : vector<256x512xf32>
    %select_n3A_596 = arith.select %ge3A_593, %add3A_589, %mul3A_595 : vector<256x512xi1>, vector<256x512xf32>
    %swap3A = arith.constant 0 : index
    %swap3A_597 = arith.constant 0 : index
    %swap3A_598 = vector.load %arg9[%swap3A, %swap3A_597] : memref<256x512xf32, #tpu.memory_space<vmem>>, vector<256x512xf32>
    tpu.vector_store %arg9[%swap3A, %swap3A_597], %select_n3A_596 {strides = array<i32>} : memref<256x512xf32, #tpu.memory_space<vmem>>, vector<256x512xf32>,
    return
  }
  func.func @transform_0(%arg0: i32) -> (i32, i32, i32) {
    %c0_i32 = arith.constant 0 : i32
    %c0_i32_0 = arith.constant 0 : i32
    %c0_i32_1 = arith.constant 0 : i32
    return %c0_i32, %arg0, %c0_i32_0 : i32, i32, i32
  }
  func.func @transform_1(%arg0: i32) -> (i32, i32, i32) {
    %c0_i32 = arith.constant 0 : i32
    %c0_i32_0 = arith.constant 0 : i32
    %c0_i32_1 = arith.constant 0 : i32
    return %c0_i32, %arg0, %c0_i32_0 : i32, i32, i32
  }
  func.func @transform_2(%arg0: i32) -> (i32, i32) {
    %c0_i32 = arith.constant 0 : i32
    %c0_i32_0 = arith.constant 0 : i32
    %c0_i32_1 = arith.constant 0 : i32
    return %c0_i32, %c0_i32_0 : i32, i32
  }
  func.func @transform_3(%arg0: i32) -> (i32, i32) {
    %c0_i32 = arith.constant 0 : i32
    %c0_i32_0 = arith.constant 0 : i32
    %c0_i32_1 = arith.constant 0 : i32
    return %c0_i32, %c0_i32_0 : i32, i32
  }
  func.func @transform_4(%arg0: i32) -> (i32, i32) {
    %c0_i32 = arith.constant 0 : i32
    %c0_i32_0 = arith.constant 0 : i32
    %c0_i32_1 = arith.constant 0 : i32
    return %c0_i32, %c0_i32_0 : i32, i32
  }
  func.func @transform_5(%arg0: i32) -> (i32, i32) {
    %c0_i32 = arith.constant 0 : i32
    %c0_i32_0 = arith.constant 0 : i32
    %c0_i32_1 = arith.constant 0 : i32
    return %c0_i32, %c0_i32_0 : i32, i32
  }
  func.func @transform_6(%arg0: i32) -> (i32, i32) {
    %c0_i32 = arith.constant 0 : i32
    %c0_i32_0 = arith.constant 0 : i32
    %c0_i32_1 = arith.constant 0 : i32
    return %c0_i32, %c0_i32_0 : i32, i32
  }
  func.func @transform_7(%arg0: i32) -> (i32, i32) {
    %c0_i32 = arith.constant 0 : i32
    %c0_i32_0 = arith.constant 0 : i32
    %c0_i32_1 = arith.constant 0 : i32
    return %c0_i32, %c0_i32_0 : i32, i32
  }
  func.func @transform_8(%arg0: i32) -> (i32, i32) {
    %c0_i32 = arith.constant 0 : i32
    %c0_i32_0 = arith.constant 0 : i32
    return %arg0, %c0_i32 : i32, i32
  }
}

</mosaic_0001>

<sc_bundles>
// kernel: kernel.11.cloned.1.call-start
scs
__scs_entry_jumppad:
0x0: {  	(pc) =	sbr.rel $0x88, $3  }
0x1: {  	(tag) =	ssettag $0x0;
	lr =	simm.s32 $0x1  }
0x2: {  	[smem:$0x3F98] =	sst lr;
	_ =	strace $0xD0000000  }
0x3: {  	_ = 	snop  }
0x4: {  	_ = 	snop  }
0x5: {  	_ = 	snop  }
0x6: {  	_ = 	snop  }
0x7: {  	_ = 	snop  }
__scs_overlays_trampoline_lowered:
0x8: {  	[smem:$0x3FA7] =	sst s0  }
0x9: {  	[smem:$0x3FA8] =	sst s1  }
0xa: {  	[smem:$0x3FA9] =	sst s2  }
0xb: {  	[smem:$0x3FAA] =	sst s3  }
0xc: {  	[smem:$0x3FAB] =	sst s4  }
0xd: {  	[smem:$0x3FAC] =	sst s5  }
0xe: {  	[smem:$0x3FAD] =	sst s6  }
0xf: {  	[smem:$0x3FAE] =	sst s7  }
0x10: {  	[smem:$0x3FAF] =	sst s8  }
0x11: {  	[smem:$0x3FB0] =	sst s9;
	s0 =	simm.s32 @!p0 $0x0  }
0x12: {  	s1 =	sld [smem:$0x3F96];
	s0 =	simm.s32 @p0 $0x1  }
0x13: {  	[smem:$0x3FB1] =	sst s0;
	s0 =	simm.s32 @!p1 $0x0  }
0x14: {  	s2 =	sld [smem:$0x3F95];
	s0 =	simm.s32 @p1 $0x1  }
0x15: {  	[smem:$0x3FB2] =	sst s0;
	s0 =	simm.s32 @!p2 $0x0  }
0x16: {  	s3 =	sld [smem:$0x3FDB];
	s0 =	simm.s32 @p2 $0x1  }
0x17: {  	s4 =	simm.s32 $0x1BF5;
	[smem:$0x3FB4] =	sst s0  }
0x18: {  	s0 =	sld [smem:$0x3F97];
	_ =	swait.ge [sflag:s4], $0x0  }
0x19: {  	s7 =	sld [smem:$0x3F98]  }
0x1a: {  	s8 =	sadd.s32 $0xFFFFE003, lr  }
0x1b: {  	s9 =	sadd.s32 $0xFFFFFEF7, lr;
	s5 =	simm.s32 $0xFFFFFFFF;
	p2 =	slt.u32 s8, $0xFFFFF086  }
0x1c: {  	p1 =	slt.u32 s9, $0xF7A;
	s5 =	simm.s32 @!p2 $0x0  }
0x1d: {  	s5 =	simm.s32 @p1 $0x1;
	p0 =	seq.s32 s7, s2  }
0x1e: {  	s7 =	smul.u32 @!p0 $0xF7A, s2;
	p2 =	seq.s32 @!p0 s5, $0x0  }
0x1f: {  	s9 =	smul.u32 $0xF7A, s1;
	s8 =	simm.s32 @!p0 $0x1BF5;
	p2 =	por !p2, p0  }
0x20: {  	[sflag:s8] =	ssyncset.s32 @!p0 $0xFFFFF086;
	s6 =	sadd.s32 @!p0 s3, s7;
	s7 =	simm.s32 @!p0 $0x108  }
0x21: {  	s3 =	sadd.s32 s3, s9;
	s6 =	sadd.s32 @!p0 $0x88, s6;
	s7 =	simm.s32 @p2 $0x1082  }
0x22: {  	[simem:s7], [sflag:s8] =	dma.local @!p0 [hbm:s6], $0xF7A  }
0x23: {  	s9 =	sor.u32 $0xD0000000, s2;
	s6 =	simm.s32 $0x108;
	_ =	swait.ge @!p0 [sflag:s8], $0x0  }
0x24: {  	s3 =	sadd.s32 $0x88, s3;
	s6 =	simm.s32 @!p1 $0x1082;
	[sflag:s4] =	ssyncset.s32 $0xFFFFF086  }
0x25: {  	[simem:s6], [sflag:s4] =	dma.local [hbm:s3], $0xF7A  }
0x26: {  	[smem:$0x3F98] =	sst s1;
	(tag) =	ssettag s2;
	_ =	strace s9  }
0x27: {  	s1 =	sld [smem:$0x3FA8]  }
0x28: {  	s2 =	sld [smem:$0x3FA9]  }
0x29: {  	s4 =	sld [smem:$0x3FAB]  }
0x2a: {  	p0 =	seq.s32 s5, $0x0;
	s5 =	sld [smem:$0x3FAC]  }
0x2b: {  	s6 =	sld [smem:$0x3FAD]  }
0x2c: {  	s7 =	sld [smem:$0x3FAE]  }
0x2d: {  	s3 =	simm.s32 $0x108;
	s8 =	sld [smem:$0x3FAF]  }
0x2e: {  	s3 =	simm.s32 @!p0 $0x1082;
	s9 =	sld [smem:$0x3FB0]  }
0x2f: {  	lr =	sadd.s32 s0, s3;
	s0 =	sld [smem:$0x3FA7]  }
0x30: {  	s3 =	sld [smem:$0x3FAA]  }
0x31: {  	[smem:$0x3FB3] =	sst s10  }
0x32: {  	s10 =	sld [smem:$0x3FB1];
	_ =	sdelay $0x3  }
0x33: {  	p0 =	seq.s32 s10, $0x1;
	s10 =	sld [smem:$0x3FB3];
	_ =	sdelay $0x3  }
0x34: {  	[smem:$0x3FB3] =	sst s10  }
0x35: {  	s10 =	sld [smem:$0x3FB2];
	_ =	sdelay $0x3  }
0x36: {  	p1 =	seq.s32 s10, $0x1;
	s10 =	sld [smem:$0x3FB3];
	_ =	sdelay $0x3  }
0x37: {  	[smem:$0x3FB3] =	sst s10  }
0x38: {  	s10 =	sld [smem:$0x3FB4]  }
0x39: {  	_ = 	snop;
	(pc) =	sbr.ind lr, $3  }
0x3a: {  	_ = 	snop  }
0x3b: {  	_ = 	snop  }
0x3c: {  	p2 =	seq.s32 s10, $0x1;
	s10 =	sld [smem:$0x3FB3]  }
0x3d: {  	_ =	shalt  }
0x3e: {  	_ =	shalt  }
0x3f: {  	_ =	shalt  }
0x40: {  	_ =	shalt  }
0x41: {  	_ =	shalt  }
0x42: {  	_ =	shalt  }
0x43: {  	_ =	shalt  }
0x44: {  	_ =	shalt  }
0x45: {  	_ =	shalt  }
0x46: {  	_ =	shalt  }
0x47: {  	_ =	shalt  }
0x48: {  	_ =	shalt  }
0x49: {  	_ =	shalt  }
0x4a: {  	_ =	shalt  }
0x4b: {  	_ =	shalt  }
0x4c: {  	_ =	shalt  }
0x4d: {  	_ =	shalt  }
0x4e: {  	_ =	shalt  }
0x4f: {  	_ =	shalt  }
0x50: {  	_ =	shalt  }
0x51: {  	_ =	shalt  }
0x52: {  	_ =	shalt  }
0x53: {  	_ =	shalt  }
0x54: {  	_ =	shalt  }
0x55: {  	_ =	shalt  }
0x56: {  	_ =	shalt  }
0x57: {  	_ =	shalt  }
0x58: {  	_ =	shalt  }
0x59: {  	_ =	shalt  }
0x5a: {  	_ =	shalt  }
0x5b: {  	_ =	shalt  }
0x5c: {  	_ =	shalt  }
0x5d: {  	_ =	shalt  }
0x5e: {  	_ =	shalt  }
0x5f: {  	_ =	shalt  }
0x60: {  	_ =	shalt  }
0x61: {  	_ =	shalt  }
0x62: {  	_ =	shalt  }
0x63: {  	_ =	shalt  }
0x64: {  	_ =	shalt  }
0x65: {  	_ =	shalt  }
0x66: {  	_ =	shalt  }
0x67: {  	_ =	shalt  }
0x68: {  	_ =	shalt  }
0x69: {  	_ =	shalt  }
0x6a: {  	_ =	shalt  }
0x6b: {  	_ =	shalt  }
0x6c: {  	_ =	shalt  }
0x6d: {  	_ =	shalt  }
0x6e: {  	_ =	shalt  }
0x6f: {  	_ =	shalt  }
0x70: {  	_ =	shalt  }
0x71: {  	_ =	shalt  }
0x72: {  	_ =	shalt  }
0x73: {  	_ =	shalt  }
0x74: {  	_ =	shalt  }
0x75: {  	_ =	shalt  }
0x76: {  	_ =	shalt  }
0x77: {  	_ =	shalt  }
0x78: {  	_ =	shalt  }
0x79: {  	_ =	shalt  }
0x7a: {  	_ =	shalt  }
0x7b: {  	_ =	shalt  }
0x7c: {  	_ =	shalt  }
0x7d: {  	_ =	shalt  }
0x7e: {  	_ =	shalt  }
0x7f: {  	_ =	shalt  }
0x80: {  	_ =	shalt  }
0x81: {  	_ =	shalt  }
0x82: {  	_ =	shalt  }
0x83: {  	_ =	shalt  }
0x84: {  	_ =	shalt  }
0x85: {  	_ =	shalt  }
0x86: {  	_ =	shalt  }
0x87: {  	_ =	shalt  }
.Lfunc_end0:
.L_simem_size_0:
called_computation.2_lowered:
.L_overlay_start_0:
0x88: {  	s2 =	sld [smem:$0x3FD9]  }
0x89: {  	s3 =	sld [smem:$0x3FFE];
	_ =	sdelay $0x1  }
0x8a: {  	s1 =	srdreg.scid  }
0x8b: {  	s0 =	sand.u32 $0x1, s1  }
0x8c: {  	s17 =	sshll.u32 s0, $0xA;
	s2 =	sadd.s32 s3, s2  }
0x8d: {  	s2 =	sadd.s32 s2, s17  }
0x8e: {  	[smem:$0x3FBF] =	sst s2  }
0x8f: {  	_ = 	snop  }
0x90: {  	(tm) =	ssettm $0x1  }
0x91: {  	s18 =	sld [smem:$0x3FFB];
	_ =	sdelay $0x3  }
0x92: {  	_ =	strace s18  }
0x93: {  	s2 =	sld [smem:$0x3FFC];
	_ =	sdelay $0x3  }
0x94: {  	_ =	strace s2  }
0x95: {  	s2 =	sld [smem:$0x3FFD];
	_ =	sdelay $0x3  }
0x96: {  	_ =	strace s2  }
0x97: {  	_ =	strace $0x8FFFFFFF  }
0x98: {  	s19 =	sld [smem:$0x3FDB];
	_ =	sdelay $0x1  }
0x99: {  	s20 =	simm.s32 $_scs_section_size  }
0x9a: {  	s4 =	simm.s32 $_size__tile_overlayer_lowered;
	s5 =	simm.s32 $_tile_overlayer_lowered  }
0x9b: {  	s6 =	simm.s32 $0x1BFF;
	s21 =	sshll.u32 s5, $0x1;
	s3 =	sadd.s32 s20, s19  }
0x9c: {  	s22 =	simm.s32 $0x0;
	s4 =	sshll.u32 s4, $0x1;
	s5 =	sadd.s32 s21, s3  }
0x9d: {  	[timem:s22], [sflag:s6] =	dma.local [hbm:s5], s4  }
0x9e: {  	_ =	swait.ge [sflag:s6], s4  }
0x9f: {  	s4 =	ssub.s32 $0x0, s4;
	[sflag:s6] =	ssyncset.done $0x0  }
0xa0: {  	[sflag:s6] =	ssyncadd.s32 s4;
	_ =	sdelay $0x1  }
0xa1: {  	s23 =	simm.s32 $0x1B8B  }
0xa2: {  	_ =	swait.ge [sflag:s23], $0x1  }
0xa3: {  	[sflag:s23] =	ssyncset.done $0x0  }
0xa4: {  	[sflag:s23] =	ssyncadd.s32 $0xFFFFFFFF  }
0xa5: {  	s4 =	sld [smem:$0x0]  }
0xa6: {  	s5 =	sand.u32 $0xFFFFFFFE, s1  }
0xa7: {  	p0 =	sne.s32 s1, s5  }
0xa8: {  	s5 =	sshll.u32 @p0 s5, $0xE  }
0xa9: {  	s5 =	sadd.s32 @p0 $0x11B8D, s5;
	s6 =	sshll.u32 @p0 s4, $0x11  }
0xaa: {  	s5 =	sor.u32 @p0 s6, s5  }
0xab: {  	[sflag:s5] =	ssyncadd.remote.s32 @p0 $0x1;
	_ =	sdelay $0x1  }
0xac: {  	s5 =	simm.s32 @p0 $0x1B8D  }
0xad: {  	_ =	swait.eq @p0 [sflag:s5], $0x1  }
0xae: {  	[sflag:s5] =	ssyncadd.s32 @p0 $0xFFFFFFFF  }
0xaf: {  	s6 =	sshll.u32 @!p0 s1, $0xE  }
0xb0: {  	s6 =	sor.u32 @!p0 $0x4000, s6;
	s5 =	simm.s32 @!p0 $0x1B8D  }
0xb1: {  	s4 =	sshll.u32 @!p0 s4, $0x11;
	s6 =	sadd.s32 @!p0 $0x11B8D, s6;
	_ =	swait.eq @!p0 [sflag:s5], $0x1  }
0xb2: {  	s4 =	sor.u32 @!p0 s4, s6;
	[sflag:s5] =	ssyncadd.s32 @!p0 $0xFFFFFFFF  }
0xb3: {  	s25 =	simm.s32 $0x1B8E;
	s24 =	sld [smem:$0x3FFE];
	[sflag:s4] =	ssyncadd.remote.s32 @!p0 $0x1  }
0xb4: {  	s26 =	simm.s32 $execute0_lowered;
	[smem:$0x3FD2] =	sst s25  }
0xb5: {  	s5 =	sshll.u32 s26, $0x1;
	_ =	strace $0x8000004C;
	[dreg:$0x1] =	wrdreg $0xFFFFFFFF  }
0xb6: {  	s28 =	simm.s32 $_size_execute0_lowered;
	s3 =	sadd.s32 s3, s5;
	[dreg:$0x0] =	wrdreg $0x0  }
0xb7: {  	s5 =	sshll.u32 s28, $0x1;
	[dreg:$0x2] =	wrdreg s3  }
0xb8: {  	[dreg:$0x3] =	wrdreg s5  }
0xb9: {  	[dreg:$0x4] =	wrdreg $0xC0  }
0xba: {  	_ =	task [dreg:s22], $0x5FFFF  }
0xbb: {  	[dreg:$0x1] =	wrdreg $0xFFFFFFFF  }
0xbc: {  	[dreg:$0x0] =	wrdreg $0x60  }
0xbd: {  	[dreg:$0x2] =	wrdreg s24  }
0xbe: {  	[dreg:$0x3] =	wrdreg $0xA  }
0xbf: {  	_ =	task.clear_ibuf [dreg:s22], $0x4FFFF;
	_ =	strace $0x9000004C  }
0xc0: {  	s29 =	simm.s32 $0xA;
	_ =	strace $0x8000004E  }
0xc1: {  	_ =	swait.ge [sflag:s29], $0x1  }
0xc2: {  	[sflag:s29] =	ssyncadd.s32 $0xFFFFFFFF  }
0xc3: {  	_ =	strace $0x9000004E  }
0xc4: {  	_ =	sfence  }
0xc5: {  	s30 =	sld [smem:$0x0];
	_ =	sdelay $0x2  }
0xc6: {  	s31 =	sshll.u32 s1, $0xD;
	s1 =	sshrl.u32 s1, $0x2  }
0xc7: {  	s4 =	sand.u32 $0x4000, s31;
	s1 =	sadd.s32 s1, s30  }
0xc8: {  	s0 =	sor.u32 s4, s0;
	s1 =	sshll.u32 s1, $0x11  }
0xc9: {  	s0 =	sor.u32 s1, s0  }
0xca: {  	s0 =	sadd.s32 $0x8F2B, s0  }
0xcb: {  	[sflag:s0] =	ssyncadd.remote.s32 $0x1  }
0xcc: {  	_ =	sfence.sel $0xFFFF  }
0xcd: {  	[dreg:$0x0] =	wrdreg $0xFFFFFFFF;
	(pc) =	sbr.abs _section_cstart, $3  }
0xce: {  	[dreg:$0x1] =	wrdreg $0xFFFFFFFF  }
0xcf: {  	_ =	task.clear_ibuf [dreg:s22], $0x2FFFF;
	_ =	strace $0x9FFFFFFF  }
0xd0: {  	(tm) =	ssettm $0x7FFFFFFF  }
0xd1: {  	_ =	shalt  }
tec
execute0_lowered:
.L_overlay_start_1:
0x0: {  	(tag) =	ssettag $0x1  }
0x1: {  	s0 =	rddreg [dreg:$0x0]  }
0x2: {  	s5 =	stileid.u32;
	s1 =	srdreg.scid  }
0x3: {  	s2 =	simm.s32 $0x0;
	s14 =	simm.s32 $0x880;
	s15 =	simm.s32 $0xC80  }
0x4: {  	s17 =	simm.s32 $0x1480;
	s18 =	simm.s32 $0x1880;
	s19 =	simm.s32 $0x2080  }
0x5: {  	s20 =	simm.s32 $0x2480;
	s21 =	simm.s32 $0x2C80;
	[smem:$0x7FF] =	sst s2  }
0x6: {  	s22 =	simm.s32 $0x3080;
	_ =	strace $0x8000004D;
	[dreg:$0x3] =	wrdreg s14  }
0x7: {  	s23 =	simm.s32 $0x3880;
	s25 =	simm.s32 $0x3C80;
	[dreg:$0x4] =	wrdreg s15  }
0x8: {  	s26 =	simm.s32 $0x4480;
	s8 =	simm.s32 $0x80;
	[dreg:$0x5] =	wrdreg s17  }
0x9: {  	s9 =	simm.s32 $0x4880;
	s10 =	simm.s32 $0x5080;
	[dreg:$0x6] =	wrdreg s18  }
0xa: {  	s11 =	simm.s32 $0x5480;
	s28 =	simm.s32 $0xB480;
	[dreg:$0x7] =	wrdreg s19  }
0xb: {  	s29 =	simm.s32 $0xBC80;
	s30 =	simm.s32 $0x1;
	[dreg:$0x8] =	wrdreg s20  }
0xc: {  	s31 =	simm.s32 $0x0;
	s3 =	sshll.u32 s5, $0x9;
	[dreg:$0x9] =	wrdreg s21  }
0xd: {  	s1 =	sand.u32 $0x1, s1;
	s12 =	smul.u32 $0x30000, s5;
	[dreg:$0xa] =	wrdreg s22  }
0xe: {  	s3 =	sadd.s32 s3, s0;
	s4 =	sshll.u32 s1, $0x8;
	[dreg:$0xb] =	wrdreg s23  }
0xf: {  	s16 =	ssub.s32 $0x2, s1;
	s1 =	smul.u32 $0x18000, s1;
	[dreg:$0xc] =	wrdreg s25  }
0x10: {  	[dreg:$0xd] =	wrdreg s26;
	s14 =	simm.s32 $0x6880;
	s15 =	simm.s32 $0x6C80  }
0x11: {  	s17 =	simm.s32 $0x7880;
	s18 =	simm.s32 $0x8080;
	s19 =	simm.s32 $0x8480  }
0x12: {  	s20 =	simm.s32 $0x8C80;
	s21 =	simm.s32 $0x9080;
	s22 =	simm.s32 $0x9880  }
0x13: {  	s23 =	simm.s32 $0x9C80;
	s25 =	simm.s32 $0xA880;
	s26 =	simm.s32 $0xB080  }
0x14: {  	s3 =	sadd.s32 s4, s3;
	s6 =	sadd.s32 s12, s0;
	s7 =	sshrl.u32 s16, $0x1  }
0x15: {  	s4 =	sadd.s32 $0x182B00, s0;
	s12 =	simm.s32 $0x5C80;
	s13 =	sadd.s32 $0x2A00, s3  }
0x16: {  	s3 =	sadd.s32 $0x182A00, s0;
	s5 =	ssub.s32 s16, s7;
	s1 =	sadd.s32 s1, s6  }
0x17: {  	v2 =	vlaneseq.u32;
	s7 =	simm.s32 $0x2;
	[dreg:$0x2] =	wrdreg s13;
	s5 =	smax.u32 s5, $0x1  }
0x18: {  	vm0 =	vmmov $0xffff;
	vm1 =	vmmov $0xff;
	v1 =	vshrl.u32 v2, $0x3;
	s16 =	simm.s32 $0x7480;
	s24 =	sadd.s32 $0x616200, s1;
	[dreg:$0xe] =	wrdreg s5  }
0x19: {  	v0 =	vand.u32 $0x7, v2;
	v2 =	vor.u32 $0x8, v2;
	v1 =	vmul.u32 $0x8, v1;
	s13 =	simm.s32 $0x6080;
	[dreg:$0xf] =	wrdreg s24;
	s24 =	simm.s32 $0xA480  }
.LBB2_1:
0x1a: {  	s6 =	rddreg [dreg:$0xf];
	s1 =	simm.s32 $0x0  }
.LBB2_2:
0x1b: {  	s5 =	rddreg [dreg:$0x2]  }
0x1c: {  	s5 =	sadd.s32 s1, s5  }
0x1d: {  	[tilespmem:s2], [sflag:$0x2] =	stream.linear.gather [hbm4b:s5+s2], $0x80, $0x38;
	[tilespmem:$0xC080] =	vst v63  }
0x1e: {  	_ =	swait.ge [sflag:s7], $0x80  }
0x1f: {  	[sflag:s7] =	ssyncset.done $0x0  }
0x20: {  	[sflag:s7] =	ssyncadd.s32 $0xFFFFFF80  }
0x21: {  	v3 =	vld [tilespmem:$0x0];
	_ =	sdelay $0x4  }
0x22: {  	v4 =	vshrl.u32 v3, $0x3  }
0x23: {  	v4 =	vmul.u32 $0x18, v4  }
0x24: {  	v3 =	vand.u32 $0x7, v3  }
0x25: {  	v3 =	vor.u32 v3, v4  }
0x26: {  	v4 =	vperm.xlane v3, v0;
	_ =	sdelay $0x1  }
0x27: {  	v4 =	vadd.s32 v1, v4;
	_ =	sdelay $0x1  }
0x28: {  	v3 =	vperm.xlane v3, v2;
	_ =	sdelay $0x1  }
0x29: {  	v3 =	vadd.s32 v1, v3  }
0x2a: {  	[tilespmem:s8], [sflag:$0x1] =	stream.indirect_vreg.gather [hbm4b:s3+s2], $0x80, v4, vm0, $0xb8;
	[tilespmem:$0xC080] =	vst v63  }
0x2b: {  	s5 =	rddreg [dreg:$0x3]  }
0x2c: {  	[tilespmem:s5], [sflag:$0x1] =	stream.indirect_vreg.gather [hbm4b:s4+s2], $0x80, v4, vm1, $0xb8;
	[tilespmem:$0xC080] =	vst v63  }
0x2d: {  	s0 =	rddreg [dreg:$0x4]  }
0x2e: {  	[tilespmem:s0], [sflag:$0x1] =	stream.indirect_vreg.gather [hbm4b:s3+s2], $0x80, v3, vm0, $0xb8;
	[tilespmem:$0xC080] =	vst v63  }
0x2f: {  	s5 =	rddreg [dreg:$0x5]  }
0x30: {  	[tilespmem:s5], [sflag:$0x1] =	stream.indirect_vreg.gather [hbm4b:s4+s2], $0x80, v3, vm1, $0xb8;
	[tilespmem:$0xC080] =	vst v63  }
0x31: {  	v3 =	vld [tilespmem:$0x10];
	_ =	sdelay $0x4  }
0x32: {  	v57 =	vshrl.u32 v3, $0x3  }
0x33: {  	v4 =	vmul.u32 $0x18, v57  }
0x34: {  	v3 =	vand.u32 $0x7, v3  }
0x35: {  	v3 =	vor.u32 v3, v4  }
0x36: {  	v4 =	vperm.xlane v3, v0;
	_ =	sdelay $0x1  }
0x37: {  	v4 =	vadd.s32 v1, v4;
	_ =	sdelay $0x1  }
0x38: {  	v3 =	vperm.xlane v3, v2;
	_ =	sdelay $0x1  }
0x39: {  	s0 =	rddreg [dreg:$0x6];
	v3 =	vadd.s32 v1, v3  }
0x3a: {  	[tilespmem:s0], [sflag:$0x1] =	stream.indirect_vreg.gather [hbm4b:s3+s2], $0x80, v4, vm0, $0xb8;
	[tilespmem:$0xC080] =	vst v63  }
0x3b: {  	s5 =	rddreg [dreg:$0x7]  }
0x3c: {  	[tilespmem:s5], [sflag:$0x1] =	stream.indirect_vreg.gather [hbm4b:s4+s2], $0x80, v4, vm1, $0xb8;
	[tilespmem:$0xC080] =	vst v63  }
0x3d: {  	s0 =	rddreg [dreg:$0x8]  }
0x3e: {  	[tilespmem:s0], [sflag:$0x1] =	stream.indirect_vreg.gather [hbm4b:s3+s2], $0x80, v3, vm0, $0xb8;
	[tilespmem:$0xC080] =	vst v63  }
0x3f: {  	s5 =	rddreg [dreg:$0x9]  }
0x40: {  	[tilespmem:s5], [sflag:$0x1] =	stream.indirect_vreg.gather [hbm4b:s4+s2], $0x80, v3, vm1, $0xb8;
	[tilespmem:$0xC080] =	vst v63  }
0x41: {  	v3 =	vld [tilespmem:$0x20];
	_ =	sdelay $0x4  }
0x42: {  	v58 =	vshrl.u32 v3, $0x3  }
0x43: {  	v4 =	vmul.u32 $0x18, v58  }
0x44: {  	v3 =	vand.u32 $0x7, v3  }
0x45: {  	v3 =	vor.u32 v3, v4  }
0x46: {  	v4 =	vperm.xlane v3, v0;
	_ =	sdelay $0x1  }
0x47: {  	v4 =	vadd.s32 v1, v4;
	_ =	sdelay $0x1  }
0x48: {  	v3 =	vperm.xlane v3, v2;
	_ =	sdelay $0x1  }
0x49: {  	s0 =	rddreg [dreg:$0xa];
	v3 =	vadd.s32 v1, v3  }
0x4a: {  	[tilespmem:s0], [sflag:$0x1] =	stream.indirect_vreg.gather [hbm4b:s3+s2], $0x80, v4, vm0, $0xb8;
	[tilespmem:$0xC080] =	vst v63  }
0x4b: {  	s5 =	rddreg [dreg:$0xb]  }
0x4c: {  	[tilespmem:s5], [sflag:$0x1] =	stream.indirect_vreg.gather [hbm4b:s4+s2], $0x80, v4, vm1, $0xb8;
	[tilespmem:$0xC080] =	vst v63  }
0x4d: {  	s0 =	rddreg [dreg:$0xc]  }
0x4e: {  	[tilespmem:s0], [sflag:$0x1] =	stream.indirect_vreg.gather [hbm4b:s3+s2], $0x80, v3, vm0, $0xb8;
	[tilespmem:$0xC080] =	vst v63  }
0x4f: {  	s5 =	rddreg [dreg:$0xd]  }
0x50: {  	[tilespmem:s5], [sflag:$0x1] =	stream.indirect_vreg.gather [hbm4b:s4+s2], $0x80, v3, vm1, $0xb8;
	[tilespmem:$0xC080] =	vst v63  }
0x51: {  	v3 =	vld [tilespmem:$0x30];
	_ =	sdelay $0x4  }
0x52: {  	v59 =	vshrl.u32 v3, $0x3  }
0x53: {  	v4 =	vmul.u32 $0x18, v59  }
0x54: {  	v3 =	vand.u32 $0x7, v3  }
0x55: {  	v3 =	vor.u32 v3, v4  }
0x56: {  	v4 =	vperm.xlane v3, v0;
	_ =	sdelay $0x1  }
0x57: {  	v4 =	vadd.s32 v1, v4;
	_ =	sdelay $0x1  }
0x58: {  	v3 =	vperm.xlane v3, v2;
	_ =	sdelay $0x1  }
0x59: {  	v3 =	vadd.s32 v1, v3  }
0x5a: {  	[tilespmem:s9], [sflag:$0x1] =	stream.indirect_vreg.gather [hbm4b:s3+s2], $0x80, v4, vm0, $0xb8;
	[tilespmem:$0xC080] =	vst v63  }
0x5b: {  	_ = 	snop  }
0x5c: {  	[tilespmem:s10], [sflag:$0x1] =	stream.indirect_vreg.gather [hbm4b:s4+s2], $0x80, v4, vm1, $0xb8;
	[tilespmem:$0xC080] =	vst v63  }
0x5d: {  	_ = 	snop  }
0x5e: {  	[tilespmem:s11], [sflag:$0x1] =	stream.indirect_vreg.gather [hbm4b:s3+s2], $0x80, v3, vm0, $0xb8;
	[tilespmem:$0xC080] =	vst v63  }
0x5f: {  	_ = 	snop  }
0x60: {  	[tilespmem:s12], [sflag:$0x1] =	stream.indirect_vreg.gather [hbm4b:s4+s2], $0x80, v3, vm1, $0xb8;
	[tilespmem:$0xC080] =	vst v63  }
0x61: {  	v3 =	vld [tilespmem:$0x40];
	_ =	sdelay $0x4  }
0x62: {  	v60 =	vshrl.u32 v3, $0x3  }
0x63: {  	v4 =	vmul.u32 $0x18, v60  }
0x64: {  	v3 =	vand.u32 $0x7, v3  }
0x65: {  	v3 =	vor.u32 v3, v4  }
0x66: {  	v4 =	vperm.xlane v3, v0;
	_ =	sdelay $0x1  }
0x67: {  	v4 =	vadd.s32 v1, v4;
	_ =	sdelay $0x1  }
0x68: {  	v3 =	vperm.xlane v3, v2;
	_ =	sdelay $0x1  }
0x69: {  	v3 =	vadd.s32 v1, v3  }
0x6a: {  	[tilespmem:s13], [sflag:$0x1] =	stream.indirect_vreg.gather [hbm4b:s3+s2], $0x80, v4, vm0, $0xb8;
	[tilespmem:$0xC080] =	vst v63  }
0x6b: {  	_ = 	snop  }
0x6c: {  	[tilespmem:s14], [sflag:$0x1] =	stream.indirect_vreg.gather [hbm4b:s4+s2], $0x80, v4, vm1, $0xb8;
	[tilespmem:$0xC080] =	vst v63  }
0x6d: {  	_ = 	snop  }
0x6e: {  	[tilespmem:s15], [sflag:$0x1] =	stream.indirect_vreg.gather [hbm4b:s3+s2], $0x80, v3, vm0, $0xb8;
	[tilespmem:$0xC080] =	vst v63  }
0x6f: {  	_ = 	snop  }
0x70: {  	[tilespmem:s16], [sflag:$0x1] =	stream.indirect_vreg.gather [hbm4b:s4+s2], $0x80, v3, vm1, $0xb8;
	[tilespmem:$0xC080] =	vst v63  }
0x71: {  	v3 =	vld [tilespmem:$0x50];
	_ =	sdelay $0x4  }
0x72: {  	v61 =	vshrl.u32 v3, $0x3  }
0x73: {  	v4 =	vmul.u32 $0x18, v61  }
0x74: {  	v3 =	vand.u32 $0x7, v3  }
0x75: {  	v3 =	vor.u32 v3, v4  }
0x76: {  	v4 =	vperm.xlane v3, v0;
	_ =	sdelay $0x1  }
0x77: {  	v4 =	vadd.s32 v1, v4;
	_ =	sdelay $0x1  }
0x78: {  	v3 =	vperm.xlane v3, v2;
	_ =	sdelay $0x1  }
0x79: {  	v3 =	vadd.s32 v1, v3  }
0x7a: {  	[tilespmem:s17], [sflag:$0x1] =	stream.indirect_vreg.gather [hbm4b:s3+s2], $0x80, v4, vm0, $0xb8;
	[tilespmem:$0xC080] =	vst v63  }
0x7b: {  	_ = 	snop  }
0x7c: {  	[tilespmem:s18], [sflag:$0x1] =	stream.indirect_vreg.gather [hbm4b:s4+s2], $0x80, v4, vm1, $0xb8;
	[tilespmem:$0xC080] =	vst v63  }
0x7d: {  	_ = 	snop  }
0x7e: {  	[tilespmem:s19], [sflag:$0x1] =	stream.indirect_vreg.gather [hbm4b:s3+s2], $0x80, v3, vm0, $0xb8;
	[tilespmem:$0xC080] =	vst v63  }
0x7f: {  	_ = 	snop  }
0x80: {  	[tilespmem:s20], [sflag:$0x1] =	stream.indirect_vreg.gather [hbm4b:s4+s2], $0x80, v3, vm1, $0xb8;
	[tilespmem:$0xC080] =	vst v63  }
0x81: {  	v3 =	vld [tilespmem:$0x60];
	_ =	sdelay $0x4  }
0x82: {  	v62 =	vshrl.u32 v3, $0x3  }
0x83: {  	v4 =	vmul.u32 $0x18, v62  }
0x84: {  	v3 =	vand.u32 $0x7, v3  }
0x85: {  	v3 =	vor.u32 v3, v4  }
0x86: {  	v4 =	vperm.xlane v3, v0;
	_ =	sdelay $0x1  }
0x87: {  	v4 =	vadd.s32 v1, v4;
	_ =	sdelay $0x1  }
0x88: {  	v3 =	vperm.xlane v3, v2;
	_ =	sdelay $0x1  }
0x89: {  	v3 =	vadd.s32 v1, v3  }
0x8a: {  	[tilespmem:s21], [sflag:$0x1] =	stream.indirect_vreg.gather [hbm4b:s3+s2], $0x80, v4, vm0, $0xb8;
	[tilespmem:$0xC080] =	vst v63  }
0x8b: {  	_ = 	snop  }
0x8c: {  	[tilespmem:s22], [sflag:$0x1] =	stream.indirect_vreg.gather [hbm4b:s4+s2], $0x80, v4, vm1, $0xb8;
	[tilespmem:$0xC080] =	vst v63  }
0x8d: {  	_ = 	snop  }
0x8e: {  	[tilespmem:s23], [sflag:$0x1] =	stream.indirect_vreg.gather [hbm4b:s3+s2], $0x80, v3, vm0, $0xb8;
	[tilespmem:$0xC080] =	vst v63  }
0x8f: {  	_ = 	snop  }
0x90: {  	[tilespmem:s24], [sflag:$0x1] =	stream.indirect_vreg.gather [hbm4b:s4+s2], $0x80, v3, vm1, $0xb8;
	[tilespmem:$0xC080] =	vst v63  }
0x91: {  	v3 =	vld [tilespmem:$0x70];
	_ =	sdelay $0x4  }
0x92: {  	v63 =	vshrl.u32 v3, $0x3  }
0x93: {  	v4 =	vmul.u32 $0x18, v63  }
0x94: {  	v3 =	vand.u32 $0x7, v3  }
0x95: {  	v3 =	vor.u32 v3, v4  }
0x96: {  	v4 =	vperm.xlane v3, v0;
	_ =	sdelay $0x1  }
0x97: {  	v4 =	vadd.s32 v1, v4;
	_ =	sdelay $0x1  }
0x98: {  	v3 =	vperm.xlane v3, v2;
	_ =	sdelay $0x1  }
0x99: {  	v3 =	vadd.s32 v1, v3  }
0x9a: {  	[tilespmem:s25], [sflag:$0x1] =	stream.indirect_vreg.gather [hbm4b:s3+s2], $0x80, v4, vm0, $0xb8;
	[tilespmem:$0xC080] =	vst v63  }
0x9b: {  	_ = 	snop  }
0x9c: {  	[tilespmem:s26], [sflag:$0x1] =	stream.indirect_vreg.gather [hbm4b:s4+s2], $0x80, v4, vm1, $0xb8;
	[tilespmem:$0xC080] =	vst v63  }
0x9d: {  	_ = 	snop  }
0x9e: {  	[tilespmem:s28], [sflag:$0x1] =	stream.indirect_vreg.gather [hbm4b:s3+s2], $0x80, v3, vm0, $0xb8;
	[tilespmem:$0xC080] =	vst v63  }
0x9f: {  	_ = 	snop  }
0xa0: {  	[tilespmem:s29], [sflag:$0x1] =	stream.indirect_vreg.gather [hbm4b:s4+s2], $0x80, v3, vm1, $0xb8;
	[tilespmem:$0xC080] =	vst v63  }
0xa1: {  	_ =	swait.ge [sflag:s30], $0xC000  }
0xa2: {  	p0 =	sne.s32 s1, $0xF0;
	[sflag:s30] =	ssyncset.done $0x0  }
.Ltmp0:
0xa3: {  	[sflag:s30] =	ssyncadd.s32 $0xFFFF4000;
	(pc) =	sbr.rel @p0 .LBB2_2-.Ltmp0, $4  }
0xa4: {  	[hbm4b:s6+s2] =	stream.linear.scatter [tilespmem:s8], [sflag:$0x2], $0xC000, $0x38;
	[tilespmem:$0xC080] =	vst v63  }
0xa5: {  	_ =	swait.ge [sflag:s7], $0xC000  }
0xa6: {  	[sflag:s7] =	ssyncset.done $0x0  }
0xa7: {  	s1 =	sadd.s32 $0x10, s1;
	s6 =	sadd.s32 $0x1800, s6;
	[sflag:s7] =	ssyncadd.s32 $0xFFFF4000  }
0xa8: {  	s31 =	sadd.s32 $0x1, s31;
	s0 =	rddreg [dreg:$0xe]  }
0xa9: {  	p0 =	sne.s32 s31, s0  }
.Ltmp1:
0xaa: {  	_ = 	snop;
	(pc) =	sbr.rel @p0 .LBB2_1-.Ltmp1, $1  }
0xab: {  	_ =	sdelay $0x3  }
0xac: {  	_ =	sfence.sel $0x180000  }
0xad: {  	[bflag:$0x0] =	sbarrier.arrive $0xFFFF  }
0xae: {  	_ =	strace $0x9000004D  }
0xaf: {  	s0 =	stileid.u32;
	[bflag:$0x2] =	sbarrier.arrive $0xFFFF  }
0xb0: {  	p0 =	sne.s32 s0, $0x0;
	s0 =	rddreg [dreg:$0x1]  }
0xb1: {  	s0 =	sadd.s32 @!p0 $0x100000, s0  }
0xb2: {  	[sflag:s0] =	ssyncadd.tile.s32 @!p0 $0x1;
	_ =	shalt  }
.Lfunc_end2:
_tile_overlayer_lowered:
.L_overlay_start_2:
0xb3: {  	(tag) =	ssettag $0x2  }
0xb4: {  	s0 =	rddreg [dreg:$0x0];
	s2 =	stileid.u32  }
0xb5: {  	s1 =	rddreg [dreg:$0x1];
	p0 =	sne.s32 s2, $0x0  }
0xb6: {  	s3 =	rddreg [dreg:$0x2];
	[bflag:$0x3] =	sbarrier.arrive $0xFFFF;
	s2 =	simm.s32 @!p0 $0x1C02  }
0xb7: {  	[timem:s3], [sflag:s2] =	dma.local @!p0 [hbm:s0], s1  }
0xb8: {  	s0 =	simm.s32 @!p0 $0x2  }
0xb9: {  	_ =	swait.ge @!p0 [sflag:s0], s1  }
0xba: {  	s1 =	ssub.s32 @!p0 $0x0, s1;
	[sflag:s0] =	ssyncset.done @!p0 $0x0  }
0xbb: {  	[sflag:s0] =	ssyncadd.s32 @!p0 s1  }
0xbc: {  	[bflag:$0x3] =	sbarrier.arrive $0xFFFF  }
0xbd: {  	_ =	shalt  }

// kernel: kernel.8.cloned.1.call-start
scs
__scs_entry_jumppad:
0x0: {  	(pc) =	sbr.rel $0x88, $3  }
0x1: {  	(tag) =	ssettag $0x0;
	lr =	simm.s32 $0x1  }
0x2: {  	[smem:$0x3F98] =	sst lr;
	_ =	strace $0xD0000000  }
0x3: {  	_ = 	snop  }
0x4: {  	_ = 	snop  }
0x5: {  	_ = 	snop  }
0x6: {  	_ = 	snop  }
0x7: {  	_ = 	snop  }
__scs_overlays_trampoline_lowered:
0x8: {  	[smem:$0x3FA7] =	sst s0  }
0x9: {  	[smem:$0x3FA8] =	sst s1  }
0xa: {  	[smem:$0x3FA9] =	sst s2  }
0xb: {  	[smem:$0x3FAA] =	sst s3  }
0xc: {  	[smem:$0x3FAB] =	sst s4  }
0xd: {  	[smem:$0x3FAC] =	sst s5  }
0xe: {  	[smem:$0x3FAD] =	sst s6  }
0xf: {  	[smem:$0x3FAE] =	sst s7  }
0x10: {  	[smem:$0x3FAF] =	sst s8  }
0x11: {  	[smem:$0x3FB0] =	sst s9;
	s0 =	simm.s32 @!p0 $0x0  }
0x12: {  	s1 =	sld [smem:$0x3F96];
	s0 =	simm.s32 @p0 $0x1  }
0x13: {  	[smem:$0x3FB1] =	sst s0;
	s0 =	simm.s32 @!p1 $0x0  }
0x14: {  	s2 =	sld [smem:$0x3F95];
	s0 =	simm.s32 @p1 $0x1  }
0x15: {  	[smem:$0x3FB2] =	sst s0;
	s0 =	simm.s32 @!p2 $0x0  }
0x16: {  	s3 =	sld [smem:$0x3FDB];
	s0 =	simm.s32 @p2 $0x1  }
0x17: {  	s4 =	simm.s32 $0x1BF5;
	[smem:$0x3FB4] =	sst s0  }
0x18: {  	s0 =	sld [smem:$0x3F97];
	_ =	swait.ge [sflag:s4], $0x0  }
0x19: {  	s7 =	sld [smem:$0x3F98]  }
0x1a: {  	s8 =	sadd.s32 $0xFFFFE003, lr  }
0x1b: {  	s9 =	sadd.s32 $0xFFFFFEF7, lr;
	s5 =	simm.s32 $0xFFFFFFFF;
	p2 =	slt.u32 s8, $0xFFFFF086  }
0x1c: {  	p1 =	slt.u32 s9, $0xF7A;
	s5 =	simm.s32 @!p2 $0x0  }
0x1d: {  	s5 =	simm.s32 @p1 $0x1;
	p0 =	seq.s32 s7, s2  }
0x1e: {  	s7 =	smul.u32 @!p0 $0xF7A, s2;
	p2 =	seq.s32 @!p0 s5, $0x0  }
0x1f: {  	s9 =	smul.u32 $0xF7A, s1;
	s8 =	simm.s32 @!p0 $0x1BF5;
	p2 =	por !p2, p0  }
0x20: {  	[sflag:s8] =	ssyncset.s32 @!p0 $0xFFFFF086;
	s6 =	sadd.s32 @!p0 s3, s7;
	s7 =	simm.s32 @!p0 $0x108  }
0x21: {  	s3 =	sadd.s32 s3, s9;
	s6 =	sadd.s32 @!p0 $0x88, s6;
	s7 =	simm.s32 @p2 $0x1082  }
0x22: {  	[simem:s7], [sflag:s8] =	dma.local @!p0 [hbm:s6], $0xF7A  }
0x23: {  	s9 =	sor.u32 $0xD0000000, s2;
	s6 =	simm.s32 $0x108;
	_ =	swait.ge @!p0 [sflag:s8], $0x0  }
0x24: {  	s3 =	sadd.s32 $0x88, s3;
	s6 =	simm.s32 @!p1 $0x1082;
	[sflag:s4] =	ssyncset.s32 $0xFFFFF086  }
0x25: {  	[simem:s6], [sflag:s4] =	dma.local [hbm:s3], $0xF7A  }
0x26: {  	[smem:$0x3F98] =	sst s1;
	(tag) =	ssettag s2;
	_ =	strace s9  }
0x27: {  	s1 =	sld [smem:$0x3FA8]  }
0x28: {  	s2 =	sld [smem:$0x3FA9]  }
0x29: {  	s4 =	sld [smem:$0x3FAB]  }
0x2a: {  	p0 =	seq.s32 s5, $0x0;
	s5 =	sld [smem:$0x3FAC]  }
0x2b: {  	s6 =	sld [smem:$0x3FAD]  }
0x2c: {  	s7 =	sld [smem:$0x3FAE]  }
0x2d: {  	s3 =	simm.s32 $0x108;
	s8 =	sld [smem:$0x3FAF]  }
0x2e: {  	s3 =	simm.s32 @!p0 $0x1082;
	s9 =	sld [smem:$0x3FB0]  }
0x2f: {  	lr =	sadd.s32 s0, s3;
	s0 =	sld [smem:$0x3FA7]  }
0x30: {  	s3 =	sld [smem:$0x3FAA]  }
0x31: {  	[smem:$0x3FB3] =	sst s10  }
0x32: {  	s10 =	sld [smem:$0x3FB1];
	_ =	sdelay $0x3  }
0x33: {  	p0 =	seq.s32 s10, $0x1;
	s10 =	sld [smem:$0x3FB3];
	_ =	sdelay $0x3  }
0x34: {  	[smem:$0x3FB3] =	sst s10  }
0x35: {  	s10 =	sld [smem:$0x3FB2];
	_ =	sdelay $0x3  }
0x36: {  	p1 =	seq.s32 s10, $0x1;
	s10 =	sld [smem:$0x3FB3];
	_ =	sdelay $0x3  }
0x37: {  	[smem:$0x3FB3] =	sst s10  }
0x38: {  	s10 =	sld [smem:$0x3FB4]  }
0x39: {  	_ = 	snop;
	(pc) =	sbr.ind lr, $3  }
0x3a: {  	_ = 	snop  }
0x3b: {  	_ = 	snop  }
0x3c: {  	p2 =	seq.s32 s10, $0x1;
	s10 =	sld [smem:$0x3FB3]  }
0x3d: {  	_ =	shalt  }
0x3e: {  	_ =	shalt  }
0x3f: {  	_ =	shalt  }
0x40: {  	_ =	shalt  }
0x41: {  	_ =	shalt  }
0x42: {  	_ =	shalt  }
0x43: {  	_ =	shalt  }
0x44: {  	_ =	shalt  }
0x45: {  	_ =	shalt  }
0x46: {  	_ =	shalt  }
0x47: {  	_ =	shalt  }
0x48: {  	_ =	shalt  }
0x49: {  	_ =	shalt  }
0x4a: {  	_ =	shalt  }
0x4b: {  	_ =	shalt  }
0x4c: {  	_ =	shalt  }
0x4d: {  	_ =	shalt  }
0x4e: {  	_ =	shalt  }
0x4f: {  	_ =	shalt  }
0x50: {  	_ =	shalt  }
0x51: {  	_ =	shalt  }
0x52: {  	_ =	shalt  }
0x53: {  	_ =	shalt  }
0x54: {  	_ =	shalt  }
0x55: {  	_ =	shalt  }
0x56: {  	_ =	shalt  }
0x57: {  	_ =	shalt  }
0x58: {  	_ =	shalt  }
0x59: {  	_ =	shalt  }
0x5a: {  	_ =	shalt  }
0x5b: {  	_ =	shalt  }
0x5c: {  	_ =	shalt  }
0x5d: {  	_ =	shalt  }
0x5e: {  	_ =	shalt  }
0x5f: {  	_ =	shalt  }
0x60: {  	_ =	shalt  }
0x61: {  	_ =	shalt  }
0x62: {  	_ =	shalt  }
0x63: {  	_ =	shalt  }
0x64: {  	_ =	shalt  }
0x65: {  	_ =	shalt  }
0x66: {  	_ =	shalt  }
0x67: {  	_ =	shalt  }
0x68: {  	_ =	shalt  }
0x69: {  	_ =	shalt  }
0x6a: {  	_ =	shalt  }
0x6b: {  	_ =	shalt  }
0x6c: {  	_ =	shalt  }
0x6d: {  	_ =	shalt  }
0x6e: {  	_ =	shalt  }
0x6f: {  	_ =	shalt  }
0x70: {  	_ =	shalt  }
0x71: {  	_ =	shalt  }
0x72: {  	_ =	shalt  }
0x73: {  	_ =	shalt  }
0x74: {  	_ =	shalt  }
0x75: {  	_ =	shalt  }
0x76: {  	_ =	shalt  }
0x77: {  	_ =	shalt  }
0x78: {  	_ =	shalt  }
0x79: {  	_ =	shalt  }
0x7a: {  	_ =	shalt  }
0x7b: {  	_ =	shalt  }
0x7c: {  	_ =	shalt  }
0x7d: {  	_ =	shalt  }
0x7e: {  	_ =	shalt  }
0x7f: {  	_ =	shalt  }
0x80: {  	_ =	shalt  }
0x81: {  	_ =	shalt  }
0x82: {  	_ =	shalt  }
0x83: {  	_ =	shalt  }
0x84: {  	_ =	shalt  }
0x85: {  	_ =	shalt  }
0x86: {  	_ =	shalt  }
0x87: {  	_ =	shalt  }
.Lfunc_end0:
.L_simem_size_0:
called_computation.1_lowered:
.L_overlay_start_0:
0x88: {  	s2 =	sld [smem:$0x3FD9]  }
0x89: {  	s3 =	sld [smem:$0x3FFE];
	_ =	sdelay $0x1  }
0x8a: {  	s1 =	srdreg.scid  }
0x8b: {  	s0 =	sand.u32 $0x1, s1  }
0x8c: {  	s16 =	sshll.u32 s0, $0xA;
	s2 =	sadd.s32 s3, s2  }
0x8d: {  	s2 =	sadd.s32 s2, s16  }
0x8e: {  	[smem:$0x3FBF] =	sst s2  }
0x8f: {  	_ = 	snop  }
0x90: {  	(tm) =	ssettm $0x1  }
0x91: {  	s17 =	sld [smem:$0x3FFB];
	_ =	sdelay $0x3  }
0x92: {  	_ =	strace s17  }
0x93: {  	s2 =	sld [smem:$0x3FFC];
	_ =	sdelay $0x3  }
0x94: {  	_ =	strace s2  }
0x95: {  	s2 =	sld [smem:$0x3FFD];
	_ =	sdelay $0x3  }
0x96: {  	_ =	strace s2  }
0x97: {  	_ =	strace $0x8FFFFFFF  }
0x98: {  	s18 =	sld [smem:$0x3FDB];
	_ =	sdelay $0x1  }
0x99: {  	s19 =	simm.s32 $_scs_section_size  }
0x9a: {  	s4 =	simm.s32 $_size__tile_overlayer_lowered;
	s5 =	simm.s32 $_tile_overlayer_lowered  }
0x9b: {  	s22 =	simm.s32 $0x1BFF;
	s21 =	sshll.u32 s5, $0x1;
	s2 =	sadd.s32 s19, s18  }
0x9c: {  	s6 =	simm.s32 $0x0;
	s20 =	sshll.u32 s4, $0x1;
	s4 =	sadd.s32 s21, s2  }
0x9d: {  	[timem:s6], [sflag:s22] =	dma.local [hbm:s4], s20  }
0x9e: {  	_ =	swait.ge [sflag:s22], s20  }
0x9f: {  	s3 =	ssub.s32 $0x0, s20;
	[sflag:s22] =	ssyncset.done $0x0  }
0xa0: {  	[sflag:s22] =	ssyncadd.s32 s3;
	_ =	sdelay $0x1  }
0xa1: {  	s23 =	simm.s32 $0x1B8B  }
0xa2: {  	_ =	swait.ge [sflag:s23], $0x1  }
0xa3: {  	[sflag:s23] =	ssyncset.done $0x0  }
0xa4: {  	s25 =	simm.s32 $0x1B8E;
	s24 =	sld [smem:$0x3FFE];
	[sflag:s23] =	ssyncadd.s32 $0xFFFFFFFF  }
0xa5: {  	s26 =	simm.s32 $execute0_lowered;
	[smem:$0x3FD2] =	sst s25  }
0xa6: {  	s4 =	sshll.u32 s26, $0x1;
	_ =	strace $0x80000049;
	[dreg:$0x1] =	wrdreg $0xFFFFFFFF  }
0xa7: {  	s28 =	simm.s32 $_size_execute0_lowered;
	s2 =	sadd.s32 s2, s4;
	[dreg:$0x0] =	wrdreg $0x0  }
0xa8: {  	s4 =	sshll.u32 s28, $0x1;
	[dreg:$0x2] =	wrdreg s2  }
0xa9: {  	[dreg:$0x3] =	wrdreg s4  }
0xaa: {  	[dreg:$0x4] =	wrdreg $0xC0  }
0xab: {  	_ =	task [dreg:s6], $0x5FFFF  }
0xac: {  	[dreg:$0x1] =	wrdreg $0xFFFFFFFF  }
0xad: {  	[dreg:$0x0] =	wrdreg $0x60  }
0xae: {  	[dreg:$0x2] =	wrdreg s24  }
0xaf: {  	[dreg:$0x3] =	wrdreg $0x9  }
0xb0: {  	_ =	task.clear_ibuf [dreg:s6], $0x4FFFF;
	_ =	strace $0x90000049  }
0xb1: {  	s29 =	simm.s32 $0x9;
	_ =	strace $0x8000004B  }
0xb2: {  	_ =	swait.ge [sflag:s29], $0x1  }
0xb3: {  	[sflag:s29] =	ssyncadd.s32 $0xFFFFFFFF  }
0xb4: {  	_ =	strace $0x9000004B  }
0xb5: {  	_ =	sfence  }
0xb6: {  	s30 =	sld [smem:$0x0];
	_ =	sdelay $0x2  }
0xb7: {  	s31 =	sshll.u32 s1, $0xD;
	s1 =	sshrl.u32 s1, $0x2  }
0xb8: {  	s3 =	sand.u32 $0x4000, s31;
	s1 =	sadd.s32 s1, s30  }
0xb9: {  	s0 =	sor.u32 s3, s0;
	s1 =	sshll.u32 s1, $0x11  }
0xba: {  	s0 =	sor.u32 s1, s0  }
0xbb: {  	s0 =	sadd.s32 $0x8F2B, s0  }
0xbc: {  	[sflag:s0] =	ssyncadd.remote.s32 $0x1  }
0xbd: {  	_ =	sfence.sel $0xFFFF  }
0xbe: {  	[dreg:$0x0] =	wrdreg $0xFFFFFFFF;
	(pc) =	sbr.abs _section_cstart, $3  }
0xbf: {  	[dreg:$0x1] =	wrdreg $0xFFFFFFFF  }
0xc0: {  	_ =	task.clear_ibuf [dreg:s6], $0x2FFFF;
	_ =	strace $0x9FFFFFFF  }
0xc1: {  	(tm) =	ssettm $0x7FFFFFFF  }
tec
execute0_lowered:
.L_overlay_start_1:
0x0: {  	(tag) =	ssettag $0x1  }
0x1: {  	s0 =	rddreg [dreg:$0x0]  }
0x2: {  	s5 =	stileid.u32;
	s1 =	srdreg.scid  }
0x3: {  	s2 =	simm.s32 $0x0;
	s14 =	simm.s32 $0x880;
	s15 =	simm.s32 $0xC80  }
0x4: {  	s17 =	simm.s32 $0x1480;
	s18 =	simm.s32 $0x1880;
	s19 =	simm.s32 $0x2080  }
0x5: {  	s20 =	simm.s32 $0x2480;
	s21 =	simm.s32 $0x2C80;
	[smem:$0x7FF] =	sst s2  }
0x6: {  	s22 =	simm.s32 $0x3080;
	_ =	strace $0x8000004A;
	[dreg:$0x3] =	wrdreg s14  }
0x7: {  	s23 =	simm.s32 $0x3880;
	s25 =	simm.s32 $0x3C80;
	[dreg:$0x4] =	wrdreg s15  }
0x8: {  	s26 =	simm.s32 $0x4480;
	s8 =	simm.s32 $0x80;
	[dreg:$0x5] =	wrdreg s17  }
0x9: {  	s9 =	simm.s32 $0x4880;
	s10 =	simm.s32 $0x5080;
	[dreg:$0x6] =	wrdreg s18  }
0xa: {  	s11 =	simm.s32 $0x5480;
	s28 =	simm.s32 $0xB480;
	[dreg:$0x7] =	wrdreg s19  }
0xb: {  	s29 =	simm.s32 $0xBC80;
	s30 =	simm.s32 $0x1;
	[dreg:$0x8] =	wrdreg s20  }
0xc: {  	s31 =	simm.s32 $0x0;
	s3 =	sshll.u32 s5, $0x9;
	[dreg:$0x9] =	wrdreg s21  }
0xd: {  	s1 =	sand.u32 $0x1, s1;
	s12 =	smul.u32 $0x30000, s5;
	[dreg:$0xa] =	wrdreg s22  }
0xe: {  	s3 =	sadd.s32 s3, s0;
	s4 =	sshll.u32 s1, $0x8;
	[dreg:$0xb] =	wrdreg s23  }
0xf: {  	s16 =	ssub.s32 $0x2, s1;
	s1 =	smul.u32 $0x18000, s1;
	[dreg:$0xc] =	wrdreg s25  }
0x10: {  	[dreg:$0xd] =	wrdreg s26;
	s14 =	simm.s32 $0x6880;
	s15 =	simm.s32 $0x6C80  }
0x11: {  	s17 =	simm.s32 $0x7880;
	s18 =	simm.s32 $0x8080;
	s19 =	simm.s32 $0x8480  }
0x12: {  	s20 =	simm.s32 $0x8C80;
	s21 =	simm.s32 $0x9080;
	s22 =	simm.s32 $0x9880  }
0x13: {  	s23 =	simm.s32 $0x9C80;
	s25 =	simm.s32 $0xA880;
	s26 =	simm.s32 $0xB080  }
0x14: {  	s3 =	sadd.s32 s4, s3;
	s6 =	sadd.s32 s12, s0;
	s4 =	sadd.s32 $0x182B00, s0  }
0x15: {  	s7 =	sshrl.u32 s16, $0x1;
	s12 =	simm.s32 $0x5C80;
	s13 =	sadd.s32 $0x314200, s3  }
0x16: {  	s3 =	sadd.s32 $0x182A00, s0;
	s5 =	ssub.s32 s16, s7;
	s1 =	sadd.s32 s1, s6  }
0x17: {  	v2 =	vlaneseq.u32;
	s7 =	simm.s32 $0x2;
	[dreg:$0x2] =	wrdreg s13;
	s5 =	smax.u32 s5, $0x1  }
0x18: {  	vm0 =	vmmov $0xffff;
	vm1 =	vmmov $0xff;
	v1 =	vshrl.u32 v2, $0x3;
	s16 =	simm.s32 $0x7480;
	s24 =	sadd.s32 $0x316200, s1;
	[dreg:$0xe] =	wrdreg s5  }
0x19: {  	v0 =	vand.u32 $0x7, v2;
	v2 =	vor.u32 $0x8, v2;
	v1 =	vmul.u32 $0x8, v1;
	s13 =	simm.s32 $0x6080;
	[dreg:$0xf] =	wrdreg s24;
	s24 =	simm.s32 $0xA480  }
.LBB2_1:
0x1a: {  	s6 =	rddreg [dreg:$0xf];
	s1 =	simm.s32 $0x0  }
.LBB2_2:
0x1b: {  	s5 =	rddreg [dreg:$0x2]  }
0x1c: {  	s5 =	sadd.s32 s1, s5  }
0x1d: {  	[tilespmem:s2], [sflag:$0x2] =	stream.linear.gather [hbm4b:s5+s2], $0x80, $0x38;
	[tilespmem:$0xC080] =	vst v63  }
0x1e: {  	_ =	swait.ge [sflag:s7], $0x80  }
0x1f: {  	[sflag:s7] =	ssyncset.done $0x0  }
0x20: {  	[sflag:s7] =	ssyncadd.s32 $0xFFFFFF80  }
0x21: {  	v3 =	vld [tilespmem:$0x0];
	_ =	sdelay $0x4  }
0x22: {  	v4 =	vshrl.u32 v3, $0x3  }
0x23: {  	v4 =	vmul.u32 $0x18, v4  }
0x24: {  	v3 =	vand.u32 $0x7, v3  }
0x25: {  	v3 =	vor.u32 v3, v4  }
0x26: {  	v4 =	vperm.xlane v3, v0;
	_ =	sdelay $0x1  }
0x27: {  	v4 =	vadd.s32 v1, v4;
	_ =	sdelay $0x1  }
0x28: {  	v3 =	vperm.xlane v3, v2;
	_ =	sdelay $0x1  }
0x29: {  	v3 =	vadd.s32 v1, v3  }
0x2a: {  	[tilespmem:s8], [sflag:$0x1] =	stream.indirect_vreg.gather [hbm4b:s3+s2], $0x80, v4, vm0, $0xb8;
	[tilespmem:$0xC080] =	vst v63  }
0x2b: {  	s5 =	rddreg [dreg:$0x3]  }
0x2c: {  	[tilespmem:s5], [sflag:$0x1] =	stream.indirect_vreg.gather [hbm4b:s4+s2], $0x80, v4, vm1, $0xb8;
	[tilespmem:$0xC080] =	vst v63  }
0x2d: {  	s0 =	rddreg [dreg:$0x4]  }
0x2e: {  	[tilespmem:s0], [sflag:$0x1] =	stream.indirect_vreg.gather [hbm4b:s3+s2], $0x80, v3, vm0, $0xb8;
	[tilespmem:$0xC080] =	vst v63  }
0x2f: {  	s5 =	rddreg [dreg:$0x5]  }
0x30: {  	[tilespmem:s5], [sflag:$0x1] =	stream.indirect_vreg.gather [hbm4b:s4+s2], $0x80, v3, vm1, $0xb8;
	[tilespmem:$0xC080] =	vst v63  }
0x31: {  	v3 =	vld [tilespmem:$0x10];
	_ =	sdelay $0x4  }
0x32: {  	v57 =	vshrl.u32 v3, $0x3  }
0x33: {  	v4 =	vmul.u32 $0x18, v57  }
0x34: {  	v3 =	vand.u32 $0x7, v3  }
0x35: {  	v3 =	vor.u32 v3, v4  }
0x36: {  	v4 =	vperm.xlane v3, v0;
	_ =	sdelay $0x1  }
0x37: {  	v4 =	vadd.s32 v1, v4;
	_ =	sdelay $0x1  }
0x38: {  	v3 =	vperm.xlane v3, v2;
	_ =	sdelay $0x1  }
0x39: {  	s0 =	rddreg [dreg:$0x6];
	v3 =	vadd.s32 v1, v3  }
0x3a: {  	[tilespmem:s0], [sflag:$0x1] =	stream.indirect_vreg.gather [hbm4b:s3+s2], $0x80, v4, vm0, $0xb8;
	[tilespmem:$0xC080] =	vst v63  }
0x3b: {  	s5 =	rddreg [dreg:$0x7]  }
0x3c: {  	[tilespmem:s5], [sflag:$0x1] =	stream.indirect_vreg.gather [hbm4b:s4+s2], $0x80, v4, vm1, $0xb8;
	[tilespmem:$0xC080] =	vst v63  }
0x3d: {  	s0 =	rddreg [dreg:$0x8]  }
0x3e: {  	[tilespmem:s0], [sflag:$0x1] =	stream.indirect_vreg.gather [hbm4b:s3+s2], $0x80, v3, vm0, $0xb8;
	[tilespmem:$0xC080] =	vst v63  }
0x3f: {  	s5 =	rddreg [dreg:$0x9]  }
0x40: {  	[tilespmem:s5], [sflag:$0x1] =	stream.indirect_vreg.gather [hbm4b:s4+s2], $0x80, v3, vm1, $0xb8;
	[tilespmem:$0xC080] =	vst v63  }
0x41: {  	v3 =	vld [tilespmem:$0x20];
	_ =	sdelay $0x4  }
0x42: {  	v58 =	vshrl.u32 v3, $0x3  }
0x43: {  	v4 =	vmul.u32 $0x18, v58  }
0x44: {  	v3 =	vand.u32 $0x7, v3  }
0x45: {  	v3 =	vor.u32 v3, v4  }
0x46: {  	v4 =	vperm.xlane v3, v0;
	_ =	sdelay $0x1  }
0x47: {  	v4 =	vadd.s32 v1, v4;
	_ =	sdelay $0x1  }
0x48: {  	v3 =	vperm.xlane v3, v2;
	_ =	sdelay $0x1  }
0x49: {  	s0 =	rddreg [dreg:$0xa];
	v3 =	vadd.s32 v1, v3  }
0x4a: {  	[tilespmem:s0], [sflag:$0x1] =	stream.indirect_vreg.gather [hbm4b:s3+s2], $0x80, v4, vm0, $0xb8;
	[tilespmem:$0xC080] =	vst v63  }
0x4b: {  	s5 =	rddreg [dreg:$0xb]  }
0x4c: {  	[tilespmem:s5], [sflag:$0x1] =	stream.indirect_vreg.gather [hbm4b:s4+s2], $0x80, v4, vm1, $0xb8;
	[tilespmem:$0xC080] =	vst v63  }
0x4d: {  	s0 =	rddreg [dreg:$0xc]  }
0x4e: {  	[tilespmem:s0], [sflag:$0x1] =	stream.indirect_vreg.gather [hbm4b:s3+s2], $0x80, v3, vm0, $0xb8;
	[tilespmem:$0xC080] =	vst v63  }
0x4f: {  	s5 =	rddreg [dreg:$0xd]  }
0x50: {  	[tilespmem:s5], [sflag:$0x1] =	stream.indirect_vreg.gather [hbm4b:s4+s2], $0x80, v3, vm1, $0xb8;
	[tilespmem:$0xC080] =	vst v63  }
0x51: {  	v3 =	vld [tilespmem:$0x30];
	_ =	sdelay $0x4  }
0x52: {  	v59 =	vshrl.u32 v3, $0x3  }
0x53: {  	v4 =	vmul.u32 $0x18, v59  }
0x54: {  	v3 =	vand.u32 $0x7, v3  }
0x55: {  	v3 =	vor.u32 v3, v4  }
0x56: {  	v4 =	vperm.xlane v3, v0;
	_ =	sdelay $0x1  }
0x57: {  	v4 =	vadd.s32 v1, v4;
	_ =	sdelay $0x1  }
0x58: {  	v3 =	vperm.xlane v3, v2;
	_ =	sdelay $0x1  }
0x59: {  	v3 =	vadd.s32 v1, v3  }
0x5a: {  	[tilespmem:s9], [sflag:$0x1] =	stream.indirect_vreg.gather [hbm4b:s3+s2], $0x80, v4, vm0, $0xb8;
	[tilespmem:$0xC080] =	vst v63  }
0x5b: {  	_ = 	snop  }
0x5c: {  	[tilespmem:s10], [sflag:$0x1] =	stream.indirect_vreg.gather [hbm4b:s4+s2], $0x80, v4, vm1, $0xb8;
	[tilespmem:$0xC080] =	vst v63  }
0x5d: {  	_ = 	snop  }
0x5e: {  	[tilespmem:s11], [sflag:$0x1] =	stream.indirect_vreg.gather [hbm4b:s3+s2], $0x80, v3, vm0, $0xb8;
	[tilespmem:$0xC080] =	vst v63  }
0x5f: {  	_ = 	snop  }
0x60: {  	[tilespmem:s12], [sflag:$0x1] =	stream.indirect_vreg.gather [hbm4b:s4+s2], $0x80, v3, vm1, $0xb8;
	[tilespmem:$0xC080] =	vst v63  }
0x61: {  	v3 =	vld [tilespmem:$0x40];
	_ =	sdelay $0x4  }
0x62: {  	v60 =	vshrl.u32 v3, $0x3  }
0x63: {  	v4 =	vmul.u32 $0x18, v60  }
0x64: {  	v3 =	vand.u32 $0x7, v3  }
0x65: {  	v3 =	vor.u32 v3, v4  }
0x66: {  	v4 =	vperm.xlane v3, v0;
	_ =	sdelay $0x1  }
0x67: {  	v4 =	vadd.s32 v1, v4;
	_ =	sdelay $0x1  }
0x68: {  	v3 =	vperm.xlane v3, v2;
	_ =	sdelay $0x1  }
0x69: {  	v3 =	vadd.s32 v1, v3  }
0x6a: {  	[tilespmem:s13], [sflag:$0x1] =	stream.indirect_vreg.gather [hbm4b:s3+s2], $0x80, v4, vm0, $0xb8;
	[tilespmem:$0xC080] =	vst v63  }
0x6b: {  	_ = 	snop  }
0x6c: {  	[tilespmem:s14], [sflag:$0x1] =	stream.indirect_vreg.gather [hbm4b:s4+s2], $0x80, v4, vm1, $0xb8;
	[tilespmem:$0xC080] =	vst v63  }
0x6d: {  	_ = 	snop  }
0x6e: {  	[tilespmem:s15], [sflag:$0x1] =	stream.indirect_vreg.gather [hbm4b:s3+s2], $0x80, v3, vm0, $0xb8;
	[tilespmem:$0xC080] =	vst v63  }
0x6f: {  	_ = 	snop  }
0x70: {  	[tilespmem:s16], [sflag:$0x1] =	stream.indirect_vreg.gather [hbm4b:s4+s2], $0x80, v3, vm1, $0xb8;
	[tilespmem:$0xC080] =	vst v63  }
0x71: {  	v3 =	vld [tilespmem:$0x50];
	_ =	sdelay $0x4  }
0x72: {  	v61 =	vshrl.u32 v3, $0x3  }
0x73: {  	v4 =	vmul.u32 $0x18, v61  }
0x74: {  	v3 =	vand.u32 $0x7, v3  }
0x75: {  	v3 =	vor.u32 v3, v4  }
0x76: {  	v4 =	vperm.xlane v3, v0;
	_ =	sdelay $0x1  }
0x77: {  	v4 =	vadd.s32 v1, v4;
	_ =	sdelay $0x1  }
0x78: {  	v3 =	vperm.xlane v3, v2;
	_ =	sdelay $0x1  }
0x79: {  	v3 =	vadd.s32 v1, v3  }
0x7a: {  	[tilespmem:s17], [sflag:$0x1] =	stream.indirect_vreg.gather [hbm4b:s3+s2], $0x80, v4, vm0, $0xb8;
	[tilespmem:$0xC080] =	vst v63  }
0x7b: {  	_ = 	snop  }
0x7c: {  	[tilespmem:s18], [sflag:$0x1] =	stream.indirect_vreg.gather [hbm4b:s4+s2], $0x80, v4, vm1, $0xb8;
	[tilespmem:$0xC080] =	vst v63  }
0x7d: {  	_ = 	snop  }
0x7e: {  	[tilespmem:s19], [sflag:$0x1] =	stream.indirect_vreg.gather [hbm4b:s3+s2], $0x80, v3, vm0, $0xb8;
	[tilespmem:$0xC080] =	vst v63  }
0x7f: {  	_ = 	snop  }
0x80: {  	[tilespmem:s20], [sflag:$0x1] =	stream.indirect_vreg.gather [hbm4b:s4+s2], $0x80, v3, vm1, $0xb8;
	[tilespmem:$0xC080] =	vst v63  }
0x81: {  	v3 =	vld [tilespmem:$0x60];
	_ =	sdelay $0x4  }
0x82: {  	v62 =	vshrl.u32 v3, $0x3  }
0x83: {  	v4 =	vmul.u32 $0x18, v62  }
0x84: {  	v3 =	vand.u32 $0x7, v3  }
0x85: {  	v3 =	vor.u32 v3, v4  }
0x86: {  	v4 =	vperm.xlane v3, v0;
	_ =	sdelay $0x1  }
0x87: {  	v4 =	vadd.s32 v1, v4;
	_ =	sdelay $0x1  }
0x88: {  	v3 =	vperm.xlane v3, v2;
	_ =	sdelay $0x1  }
0x89: {  	v3 =	vadd.s32 v1, v3  }
0x8a: {  	[tilespmem:s21], [sflag:$0x1] =	stream.indirect_vreg.gather [hbm4b:s3+s2], $0x80, v4, vm0, $0xb8;
	[tilespmem:$0xC080] =	vst v63  }
0x8b: {  	_ = 	snop  }
0x8c: {  	[tilespmem:s22], [sflag:$0x1] =	stream.indirect_vreg.gather [hbm4b:s4+s2], $0x80, v4, vm1, $0xb8;
	[tilespmem:$0xC080] =	vst v63  }
0x8d: {  	_ = 	snop  }
0x8e: {  	[tilespmem:s23], [sflag:$0x1] =	stream.indirect_vreg.gather [hbm4b:s3+s2], $0x80, v3, vm0, $0xb8;
	[tilespmem:$0xC080] =	vst v63  }
0x8f: {  	_ = 	snop  }
0x90: {  	[tilespmem:s24], [sflag:$0x1] =	stream.indirect_vreg.gather [hbm4b:s4+s2], $0x80, v3, vm1, $0xb8;
	[tilespmem:$0xC080] =	vst v63  }
0x91: {  	v3 =	vld [tilespmem:$0x70];
	_ =	sdelay $0x4  }
0x92: {  	v63 =	vshrl.u32 v3, $0x3  }
0x93: {  	v4 =	vmul.u32 $0x18, v63  }
0x94: {  	v3 =	vand.u32 $0x7, v3  }
0x95: {  	v3 =	vor.u32 v3, v4  }
0x96: {  	v4 =	vperm.xlane v3, v0;
	_ =	sdelay $0x1  }
0x97: {  	v4 =	vadd.s32 v1, v4;
	_ =	sdelay $0x1  }
0x98: {  	v3 =	vperm.xlane v3, v2;
	_ =	sdelay $0x1  }
0x99: {  	v3 =	vadd.s32 v1, v3  }
0x9a: {  	[tilespmem:s25], [sflag:$0x1] =	stream.indirect_vreg.gather [hbm4b:s3+s2], $0x80, v4, vm0, $0xb8;
	[tilespmem:$0xC080] =	vst v63  }
0x9b: {  	_ = 	snop  }
0x9c: {  	[tilespmem:s26], [sflag:$0x1] =	stream.indirect_vreg.gather [hbm4b:s4+s2], $0x80, v4, vm1, $0xb8;
	[tilespmem:$0xC080] =	vst v63  }
0x9d: {  	_ = 	snop  }
0x9e: {  	[tilespmem:s28], [sflag:$0x1] =	stream.indirect_vreg.gather [hbm4b:s3+s2], $0x80, v3, vm0, $0xb8;
	[tilespmem:$0xC080] =	vst v63  }
0x9f: {  	_ = 	snop  }
0xa0: {  	[tilespmem:s29], [sflag:$0x1] =	stream.indirect_vreg.gather [hbm4b:s4+s2], $0x80, v3, vm1, $0xb8;
	[tilespmem:$0xC080] =	vst v63  }
0xa1: {  	_ =	swait.ge [sflag:s30], $0xC000  }
0xa2: {  	p0 =	sne.s32 s1, $0xF0;
	[sflag:s30] =	ssyncset.done $0x0  }
.Ltmp0:
0xa3: {  	[sflag:s30] =	ssyncadd.s32 $0xFFFF4000;
	(pc) =	sbr.rel @p0 .LBB2_2-.Ltmp0, $4  }
0xa4: {  	[hbm4b:s6+s2] =	stream.linear.scatter [tilespmem:s8], [sflag:$0x2], $0xC000, $0x38;
	[tilespmem:$0xC080] =	vst v63  }
0xa5: {  	_ =	swait.ge [sflag:s7], $0xC000  }
0xa6: {  	[sflag:s7] =	ssyncset.done $0x0  }
0xa7: {  	s1 =	sadd.s32 $0x10, s1;
	s6 =	sadd.s32 $0x1800, s6;
	[sflag:s7] =	ssyncadd.s32 $0xFFFF4000  }
0xa8: {  	s31 =	sadd.s32 $0x1, s31;
	s0 =	rddreg [dreg:$0xe]  }
0xa9: {  	p0 =	sne.s32 s31, s0  }
.Ltmp1:
0xaa: {  	_ = 	snop;
	(pc) =	sbr.rel @p0 .LBB2_1-.Ltmp1, $1  }
0xab: {  	_ =	sdelay $0x3  }
0xac: {  	_ =	sfence.sel $0x180000  }
0xad: {  	[bflag:$0x0] =	sbarrier.arrive $0xFFFF  }
0xae: {  	_ =	strace $0x9000004A  }
0xaf: {  	s0 =	stileid.u32;
	[bflag:$0x2] =	sbarrier.arrive $0xFFFF  }
0xb0: {  	p0 =	sne.s32 s0, $0x0;
	s0 =	rddreg [dreg:$0x1]  }
0xb1: {  	s0 =	sadd.s32 @!p0 $0x100000, s0  }
0xb2: {  	[sflag:s0] =	ssyncadd.tile.s32 @!p0 $0x1;
	_ =	shalt  }
.Lfunc_end2:
_tile_overlayer_lowered:
.L_overlay_start_2:
0xb3: {  	(tag) =	ssettag $0x2  }
0xb4: {  	s0 =	rddreg [dreg:$0x0];
	s2 =	stileid.u32  }
0xb5: {  	s1 =	rddreg [dreg:$0x1];
	p0 =	sne.s32 s2, $0x0  }
0xb6: {  	s3 =	rddreg [dreg:$0x2];
	[bflag:$0x3] =	sbarrier.arrive $0xFFFF;
	s2 =	simm.s32 @!p0 $0x1C02  }
0xb7: {  	[timem:s3], [sflag:s2] =	dma.local @!p0 [hbm:s0], s1  }
0xb8: {  	s0 =	simm.s32 @!p0 $0x2  }
0xb9: {  	_ =	swait.ge @!p0 [sflag:s0], s1  }
0xba: {  	s1 =	ssub.s32 @!p0 $0x0, s1;
	[sflag:s0] =	ssyncset.done @!p0 $0x0  }
0xbb: {  	[sflag:s0] =	ssyncadd.s32 @!p0 s1  }
0xbc: {  	[bflag:$0x3] =	sbarrier.arrive $0xFFFF  }
0xbd: {  	_ =	shalt  }

// kernel: sparse-core-data-format-call.cloned.1.call-start
scs
called_computation_lowered:
.L_overlay_start_0:
0x0: {  	s1 =	sld [smem:$0x3FD9]  }
0x1: {  	s2 =	sld [smem:$0x3FFE];
	_ =	sdelay $0x1  }
0x2: {  	s3 =	srdreg.scid  }
0x3: {  	s0 =	sand.u32 $0x1, s3  }
0x4: {  	s17 =	sshll.u32 s0, $0xA;
	s1 =	sadd.s32 s2, s1  }
0x5: {  	s1 =	sadd.s32 s1, s17  }
0x6: {  	[smem:$0x3FBF] =	sst s1  }
0x7: {  	_ = 	snop  }
0x8: {  	(tm) =	ssettm $0x1  }
0x9: {  	s18 =	sld [smem:$0x3FFB];
	_ =	sdelay $0x3  }
0xa: {  	_ =	strace s18  }
0xb: {  	s1 =	sld [smem:$0x3FFC];
	_ =	sdelay $0x3  }
0xc: {  	_ =	strace s1  }
0xd: {  	s1 =	sld [smem:$0x3FFD];
	_ =	sdelay $0x3  }
0xe: {  	_ =	strace s1  }
0xf: {  	_ =	strace $0x8FFFFFFF  }
0x10: {  	s19 =	sld [smem:$0x3FDB];
	_ =	sdelay $0x1  }
0x11: {  	s20 =	simm.s32 $_scs_section_size  }
0x12: {  	s4 =	simm.s32 $_size__tile_overlayer_lowered;
	s5 =	simm.s32 $_tile_overlayer_lowered  }
0x13: {  	s23 =	simm.s32 $0x1BFF;
	s22 =	sshll.u32 s5, $0x1;
	s1 =	sadd.s32 s20, s19  }
0x14: {  	s6 =	simm.s32 $0x0;
	s21 =	sshll.u32 s4, $0x1;
	s4 =	sadd.s32 s22, s1  }
0x15: {  	[timem:s6], [sflag:s23] =	dma.local [hbm:s4], s21  }
0x16: {  	_ =	swait.ge [sflag:s23], s21  }
0x17: {  	s2 =	ssub.s32 $0x0, s21;
	[sflag:s23] =	ssyncset.done $0x0  }
0x18: {  	[sflag:s23] =	ssyncadd.s32 s2;
	_ =	sdelay $0x1  }
0x19: {  	s24 =	simm.s32 $0x1B8B  }
0x1a: {  	_ =	swait.ge [sflag:s24], $0x1  }
0x1b: {  	[sflag:s24] =	ssyncset.done $0x0  }
0x1c: {  	s26 =	simm.s32 $0x1B8E;
	s25 =	sld [smem:$0x3FFE];
	[sflag:s24] =	ssyncadd.s32 $0xFFFFFFFF  }
0x1d: {  	s27 =	simm.s32 $execute0_lowered;
	[smem:$0x3FD2] =	sst s26  }
0x1e: {  	s4 =	sshll.u32 s27, $0x1;
	_ =	strace $0x80000046;
	[dreg:$0x1] =	wrdreg $0xFFFFFFFF  }
0x1f: {  	s28 =	simm.s32 $_size_execute0_lowered;
	s1 =	sadd.s32 s1, s4;
	[dreg:$0x0] =	wrdreg $0x0  }
0x20: {  	s4 =	sshll.u32 s28, $0x1;
	[dreg:$0x2] =	wrdreg s1  }
0x21: {  	[dreg:$0x3] =	wrdreg s4  }
0x22: {  	[dreg:$0x4] =	wrdreg $0xC0  }
0x23: {  	_ =	task [dreg:s6], $0x5FFFF  }
0x24: {  	[dreg:$0x1] =	wrdreg $0xFFFFFFFF  }
0x25: {  	[dreg:$0x0] =	wrdreg $0x60  }
0x26: {  	[dreg:$0x2] =	wrdreg s25  }
0x27: {  	[dreg:$0x3] =	wrdreg $0x9  }
0x28: {  	_ =	task.clear_ibuf [dreg:s6], $0x4FFFF;
	_ =	strace $0x90000046  }
0x29: {  	s29 =	simm.s32 $0x9;
	_ =	strace $0x80000048  }
0x2a: {  	_ =	swait.ge [sflag:s29], $0x1  }
0x2b: {  	[sflag:s29] =	ssyncadd.s32 $0xFFFFFFFF  }
0x2c: {  	_ =	strace $0x90000048  }
0x2d: {  	_ =	sfence  }
0x2e: {  	s30 =	sld [smem:$0x0];
	_ =	sdelay $0x2  }
0x2f: {  	s31 =	sshll.u32 s3, $0xD;
	s3 =	sshrl.u32 s3, $0x2  }
0x30: {  	s2 =	sand.u32 $0x4000, s31;
	s1 =	sadd.s32 s3, s30  }
0x31: {  	s0 =	sor.u32 s2, s0;
	s1 =	sshll.u32 s1, $0x11  }
0x32: {  	s0 =	sor.u32 s1, s0  }
0x33: {  	s0 =	sadd.s32 $0x8F2B, s0  }
0x34: {  	[sflag:s0] =	ssyncadd.remote.s32 $0x1  }
0x35: {  	_ =	sfence.sel $0xFFFF  }
0x36: {  	[dreg:$0x0] =	wrdreg $0xFFFFFFFF;
	(pc) =	sbr.abs _section_cstart, $3  }
0x37: {  	[dreg:$0x1] =	wrdreg $0xFFFFFFFF  }
0x38: {  	_ =	task.clear_ibuf [dreg:s6], $0x2FFFF;
	_ =	strace $0x9FFFFFFF  }
0x39: {  	(tm) =	ssettm $0x7FFFFFFF  }
tec
execute0_lowered:
.L_overlay_start_1:
0x0: {  	(tag) =	ssettag $0x1  }
0x1: {  	s0 =	stileid.u32;
	s1 =	srdreg.scid  }
0x2: {  	s4 =	rddreg [dreg:$0x0];
	s2 =	sshll.u32 s0, $0x5;
	s1 =	sshll.u32 s1, $0x9  }
0x3: {  	s5 =	simm.s32 $0x1;
	s8 =	simm.s32 $0x2;
	s1 =	sor.u32 s2, s1  }
0x4: {  	s16 =	simm.s32 $0x0;
	s9 =	simm.s32 $0xC00;
	s2 =	sand.u32 $0x380, s1  }
0x5: {  	s15 =	simm.s32 $0x0;
	s14 =	simm.s32 $0x0;
	s3 =	ssub.s32 $0x2000, s2  }
0x6: {  	s11 =	simm.s32 $0x0;
	s7 =	sand.u32 $0x3, s0;
	s31 =	sand.u32 $0x380, s3  }
0x7: {  	s13 =	simm.s32 $0x0;
	s12 =	smov.u32 s7;
	p0 =	sne.s32 s31, $0x0  }
.Ltmp0:
0x8: {  	s6 =	sshrl.u32 s3, $0xA;
	s5 =	simm.s32 @!p0 $0x0;
	(pc) =	sbr.rel .LBB1_1-.Ltmp0, $4  }
0x9: {  	s1 =	rddreg [dreg:$0x1];
	_ =	strace $0x80000047;
	s6 =	sadd.s32 s5, s6  }
0xa: {  	s10 =	smov.u32 s2;
	s5 =	simm.s32 $0x1;
	s6 =	smul.u32 $0x3, s6  }
0xb: {  	s3 =	sadd.s32 $0x2A00, s4;
	s4 =	sadd.s32 $0x182A00, s4;
	[sflag:s5] =	ssyncpa.u1 $0x0  }
0xc: {  	p0 =	por $0x0, $0x0;
	[sflag:s8] =	ssyncpa.u1 $0x0;
	s8 =	sadd.s32 $0x1, s6  }
.LBB1_4:
0xd: {  	s22 =	sshrl.u32 s16, $0x3  }
0xe: {  	s23 =	sshll.u32 s15, $0x3;
	s22 =	smul.u32 $0xC00, s22  }
0xf: {  	s27 =	sshll.u32 s16, $0x7;
	s23 =	sand.u32 $0xFFFFFC00, s23  }
0x10: {  	v5 =	vld [tilespmem:s20+$0xFFFFFFD0];
	[tilespmem:s19+$0x2040 ss:$0x81] =	vst.msk $0xffff, v4;
	s16 =	sand.u32 $0x380, s27;
	s22 =	sadd.s32 s23, s22  }
0x11: {  	v58 =	vld [tilespmem:s20+$0xFFFFFFE0];
	[tilespmem:s19+$0x2850 ss:$0x81] =	vst.msk $0xffff, v3;
	s28 =	sand.u32 $0x7F, s15;
	s16 =	sor.u32 s16, s22  }
0x12: {  	s21 =	sshra.s32 s21, $0x2;
	v59 =	vld [tilespmem:s20+$0xFFFFFFF0];
	[tilespmem:s19+$0x3060 ss:$0x81] =	vst.msk $0xffff, v2;
	s15 =	sor.u32 s28, s16  }
0x13: {  	v60 =	vld [tilespmem:s20+$0x0];
	[tilespmem:s19+$0x0 ss:$0x81] =	vst.msk $0xffff, v0;
	s18 =	sadd.s32 s21, s18;
	s29 =	smulhi.u32 $0xAAAAAAAB, s15  }
0x14: {  	v61 =	vld [tilespmem:s20+$0x10];
	[tilespmem:s18+$0x3870 ss:$0x81] =	vst.msk $0xffff, v1;
	s16 =	smulhi.u32 $0xAAAAAAAB, s16  }
0x15: {  	v62 =	vld [tilespmem:s20+$0x20];
	[tilespmem:s18+$0x810 ss:$0x81] =	vst.msk $0xffff, v5;
	s19 =	sshrl.u32 s29, $0x8  }
0x16: {  	v63 =	vld [tilespmem:s20+$0xFFFFFFC0];
	[tilespmem:s18+$0x1020 ss:$0x81] =	vst.msk $0xffff, v58;
	s16 =	sshrl.u32 s16, $0x8;
	s19 =	smul.u32 $0x180, s19  }
0x17: {  	s14 =	smul.u32 $0x60000, s14;
	[tilespmem:s18+$0x1830 ss:$0x81] =	vst.msk $0xffff, v59;
	s16 =	sand.u32 $0x1FFF, s16  }
0x18: {  	[tilespmem:s18+$0x2040 ss:$0x81] =	vst.msk $0xffff, v60;
	s16 =	smul.u32 $0x30, s16;
	s15 =	ssub.s32 s15, s19  }
0x19: {  	s14 =	sadd.s32 s4, s14;
	[tilespmem:s18+$0x2850 ss:$0x81] =	vst.msk $0xffff, v61;
	s19 =	sand.u32 $0x7, s15  }
0x1a: {  	[tilespmem:s18+$0x3060 ss:$0x81] =	vst.msk $0xffff, v62;
	s14 =	sadd.s32 s16, s14;
	s15 =	sshrl.u32 s15, $0x3;
	s30 =	sshll.u32 s19, $0x12  }
0x1b: {  	[tilespmem:s18+$0x0 ss:$0x81] =	vst.msk $0xffff, v63;
	s14 =	sadd.s32 s15, s14;
	s31 =	sor.u32 $0x400, s30  }
0x1c: {  	[hbm4b:s14+s31] =	stream.strided.scatter [tilespmem:s17], [sflag:$0x2], $0x4000, s9, s31, $0x20;
	[tilespmem:$0x10100] =	vst v63  }
.LBB1_5:
0x1d: {  	s17 =	sadd.s32 $0x400, s10  }
0x1e: {  	s14 =	sadd.s32 $0x80, s11;
	s18 =	smov.u32 s11;
	p2 =	sgt.s32 s17, $0x1FFF  }
0x1f: {  	s18 =	smov.u32 @p2 s14  }
0x20: {  	s20 =	smov.u32 s12;
	s14 =	sadd.s32 $0x4, s12;
	p3 =	sgt.s32 s18, $0x17F  }
0x21: {  	s20 =	smov.u32 @p3 s14  }
0x22: {  	s17 =	smov.u32 @p2 s2;
	p2 =	sgt.s32 s20, $0x3  }
0x23: {  	p1 =	slt.u32 s13, $0x2;
	s20 =	smov.u32 @p2 s7;
	p2 =	sne.s32 s13, s8  }
.Ltmp1:
0x24: {  	s19 =	simm.s32 @!p1 $0x2;
	(pc) =	sbr.rel @!p2 .LBB1_6-.Ltmp1, $4  }
0x25: {  	s16 =	smov.u32 s10;
	s15 =	smov.u32 s11;
	_ =	swait.ge @!p1 [sflag:s19], $0x4000  }
0x26: {  	p0 =	por !p0, !p0;
	[sflag:s19] =	ssyncset.done @!p1 $0x0;
	s10 =	smov.u32 s17  }
0x27: {  	s18 =	simm.s32 @p3 $0x0;
	s14 =	smov.u32 s12;
	[sflag:s19] =	ssyncadd.s32 @!p1 $0xFFFFC000  }
0x28: {  	s11 =	smov.u32 s18;
	s13 =	sadd.s32 $0x1, s13;
	s12 =	smov.u32 s20  }
.LBB1_1:
0x29: {  	p1 =	sge.u32 s13, s6  }
0x2a: {  	s17 =	sshll.u32 @!p1 s11, $0xD  }
0x2b: {  	s18 =	sshll.u32 @!p1 s10, $0x3;
	s17 =	sand.u32 @!p1 $0xFFFF0000, s17  }
0x2c: {  	s17 =	sadd.s32 @!p1 s17, s18  }
0x2d: {  	s31 =	sadd.s32 $0xFFFFFFFF, s13;
	s21 =	sshll.u32 @!p1 s11, $0x7;
	s17 =	sshrl.u32 @!p1 s17, $0xD  }
0x2e: {  	s22 =	sand.u32 @!p1 $0x78, s10;
	s21 =	sand.u32 @!p1 $0x380, s21;
	s20 =	smulhi.u32 @!p1 $0xAAAAAB, s17  }
0x2f: {  	s19 =	sxor.u32 @!p1 $0xFFFFFFFF, s13;
	s21 =	sor.u32 @!p1 s21, s22;
	s22 =	smul.u32 @!p1 $0x60000, s12  }
0x30: {  	s19 =	sshll.u32 @!p1 s19, $0xE;
	s18 =	sand.u32 @!p1 $0x1C00, s18;
	s20 =	smul.u32 @!p1 $0x180, s20  }
0x31: {  	s19 =	sand.u32 @!p1 $0x4000, s19;
	s18 =	sor.u32 @!p1 s18, s21;
	s21 =	sand.u32 @!p1 $0x7, s10  }
0x32: {  	s18 =	sshrl.u32 @!p1 s18, $0x3;
	s17 =	ssub.s32 @!p1 s17, s20;
	s20 =	sadd.s32 @!p1 s3, s22  }
0x33: {  	s17 =	sshll.u32 @!p1 s17, $0xA;
	s18 =	sadd.s32 @!p1 s18, s20;
	s20 =	sshll.u32 @!p1 s21, $0x12  }
0x34: {  	s17 =	sadd.s32 @!p1 s17, s18;
	s18 =	sor.u32 @!p1 $0x400, s20;
	s20 =	simm.s32 @!p1 $0x10000  }
0x35: {  	[tilespmem:s19], [sflag:$0x1] =	stream.strided.gather @!p1 [hbm4b:s17+s18], $0x4000, s20, s18, $0x38;
	[tilespmem:$0x10100] =	vst v63  }
0x36: {  	p1 =	sge.u32 s31, s6  }
.Ltmp2:
0x37: {  	_ = 	snop;
	(pc) =	sbr.rel @p1 .LBB1_5-.Ltmp2, $1  }
0x38: {  	_ =	sdelay $0x3  }
0x39: {  	s17 =	simm.s32 $0x1  }
0x3a: {  	_ =	swait.ge [sflag:s5], $0x4000;
	s17 =	simm.s32 @!p0 $0x0  }
0x3b: {  	[sflag:s5] =	ssyncset.done $0x0;
	s18 =	sshll.u32 s17, $0xE  }
0x3c: {  	[sflag:s5] =	ssyncadd.s32 $0xFFFFC000;
	s20 =	sor.u32 $0x40, s18  }
0x3d: {  	s17 =	smul.u32 $0x10200, s17;
	v0 =	vld [tilespmem:s20+$0x30]  }
0x3e: {  	v1 =	vld [tilespmem:s20+$0xFFFFFFD0]  }
0x3f: {  	s17 =	sshrl.u32 s17, $0x2;
	v5 =	vld [tilespmem:s20+$0xFFFFFFE0]  }
0x40: {  	v6 =	vld [tilespmem:s20+$0xFFFFFFF0];
	s18 =	sor.u32 $0x8000, s17  }
0x41: {  	s31 =	sand.u32 $0x1, s13;
	v4 =	vld [tilespmem:s20+$0x0];
	s19 =	sadd.s32 $0x0, s18  }
0x42: {  	v3 =	vld [tilespmem:s20+$0x10];
	s17 =	smul.u32 $0x10200, s31;
	[tilespmem:s19+$0x3870 ss:$0x81] =	vst.msk $0xffff, v0  }
0x43: {  	v2 =	vld [tilespmem:s20+$0x20];
	[tilespmem:s19+$0x810 ss:$0x81] =	vst.msk $0xffff, v1  }
0x44: {  	s17 =	sshrl.u32 s17, $0x2;
	v0 =	vld [tilespmem:s20+$0xFFFFFFC0];
	[tilespmem:s19+$0x1020 ss:$0x81] =	vst.msk $0xffff, v5;
	s20 =	sadd.s32 $0x80, s20  }
0x45: {  	s21 =	simm.s32 $0x4;
	s22 =	simm.s32 $0x8;
	s17 =	sor.u32 $0x8000, s17;
	[tilespmem:s19+$0x1830 ss:$0x81] =	vst.msk $0xffff, v6;
	v1 =	vld [tilespmem:s20+$0x30]  }
.LBB1_3:
0x46: {  	p1 =	sne.s32 s22, $0x1FC;
	v5 =	vld [tilespmem:s20+$0xFFFFFFD0];
	[tilespmem:s19+$0x2040 ss:$0x81] =	vst.msk $0xffff, v4  }
0x47: {  	v6 =	vld [tilespmem:s20+$0xFFFFFFE0];
	[tilespmem:s19+$0x2850 ss:$0x81] =	vst.msk $0xffff, v3  }
0x48: {  	s23 =	sshra.s32 s21, $0x2;
	s21 =	smov.u32 s22;
	v7 =	vld [tilespmem:s20+$0xFFFFFFF0];
	[tilespmem:s19+$0x3060 ss:$0x81] =	vst.msk $0xffff, v2  }
.Ltmp3:
0x49: {  	v4 =	vld [tilespmem:s20+$0x0];
	[tilespmem:s19+$0x0 ss:$0x81] =	vst.msk $0xffff, v0;
	s19 =	sadd.s32 s23, s18;
	(pc) =	sbr.rel @p1 .LBB1_3-.Ltmp3, $4  }
0x4a: {  	v3 =	vld [tilespmem:s20+$0x10];
	[tilespmem:s19+$0x3870 ss:$0x81] =	vst.msk $0xffff, v1  }
0x4b: {  	[tilespmem:s19+$0x810 ss:$0x81] =	vst.msk $0xffff, v5;
	v2 =	vld [tilespmem:s20+$0x20]  }
0x4c: {  	v0 =	vld [tilespmem:s20+$0xFFFFFFC0];
	[tilespmem:s19+$0x1020 ss:$0x81] =	vst.msk $0xffff, v6;
	s20 =	sadd.s32 $0x80, s20  }
0x4d: {  	s22 =	sadd.s32 $0x4, s22;
	v1 =	vld [tilespmem:s20+$0x30];
	[tilespmem:s19+$0x1830 ss:$0x81] =	vst.msk $0xffff, v7  }
.Ltmp4:
0x4e: {  	_ = 	snop;
	(pc) =	sbr.rel .LBB1_4-.Ltmp4, $1  }
0x4f: {  	_ =	sdelay $0x3  }
.LBB1_6:
0x50: {  	_ =	sfence.sel $0x180000  }
0x51: {  	s2 =	simm.s32 $0x1;
	[bflag:$0x0] =	sbarrier.arrive $0xFFFF  }
0x52: {  	s31 =	simm.s32 $0x2;
	[sflag:s2] =	ssyncpa.u1 $0x1  }
0x53: {  	[sflag:s31] =	ssyncpa.u1 $0x1  }
0x54: {  	p0 =	sne.s32 s0, $0x0;
	_ =	strace $0x90000047  }
0x55: {  	s0 =	sadd.s32 @!p0 $0x100000, s1;
	[bflag:$0x2] =	sbarrier.arrive $0xFFFF  }
0x56: {  	[sflag:s0] =	ssyncadd.tile.s32 @!p0 $0x1;
	_ =	shalt  }
.Lfunc_end1:
_tile_overlayer_lowered:
.L_overlay_start_2:
0x57: {  	(tag) =	ssettag $0x2  }
0x58: {  	s0 =	rddreg [dreg:$0x0];
	s2 =	stileid.u32  }
0x59: {  	s1 =	rddreg [dreg:$0x1];
	p0 =	sne.s32 s2, $0x0  }
0x5a: {  	s3 =	rddreg [dreg:$0x2];
	[bflag:$0x3] =	sbarrier.arrive $0xFFFF;
	s2 =	simm.s32 @!p0 $0x1C01  }
0x5b: {  	[timem:s3], [sflag:s2] =	dma.local @!p0 [hbm:s0], s1  }
0x5c: {  	s0 =	simm.s32 @!p0 $0x1  }
0x5d: {  	_ =	swait.ge @!p0 [sflag:s0], s1  }
0x5e: {  	s1 =	ssub.s32 @!p0 $0x0, s1;
	[sflag:s0] =	ssyncset.done @!p0 $0x0  }
0x5f: {  	[sflag:s0] =	ssyncadd.s32 @!p0 s1  }
0x60: {  	[bflag:$0x3] =	sbarrier.arrive $0xFFFF  }
0x61: {  	_ =	shalt  }

</sc_bundles>
